<compile_context>
chip_gen: v7x
topology: tpu7x:2x2x1
jax: 0.10.2.dev20260603
libtpu: 0.0.44.dev20260713+nightly
codegen_flags: <defaults>
</compile_context>

<pallas_src>
import functools
import math

import jax
import jax.numpy as jnp
from jax import lax
from jax.experimental import pallas as pl
from jax.experimental.pallas import tpu as pltpu
from jax.experimental.pallas import tpu_sc as plsc

DIM = 32
MARGIN = 9.0
EMB_RANGE = 11.0
NEG_PAD = 208

NC = 2
NS = 16
NW = NC * NS
ROWS_PER_DMA = 128
RING = 1


def _trig_body(rel_ref, cos_ref, sin_ref):
    ph = rel_ref[...] * (DIM * math.pi / EMB_RANGE)
    cos_ref[...] = jnp.cos(ph)
    sin_ref[...] = jnp.sin(ph)


def _sqrtv(x):
    i = plsc.bitcast(x, jnp.int32)
    y = plsc.bitcast(jnp.int32(0x5F3759DF) - (i >> 1), jnp.float32)
    xh = x * 0.5
    y = y * (1.5 - xh * y * y)
    y = y * (1.5 - xh * y * y)
    return x * y


def _make_score_kernel(batch):
    bpw = batch // NW
    rpw = bpw * NEG_PAD
    nsteps = rpw // ROWS_PER_DMA
    mesh = plsc.VectorSubcoreMesh(core_axis_name="c", subcore_axis_name="s")

    @functools.partial(
        pl.kernel,
        mesh=mesh,
        compiler_params=pltpu.CompilerParams(
            needs_layout_passes=False, use_tc_tiling_on_sc=False),
        out_type=jax.ShapeDtypeStruct((batch, NEG_PAD), jnp.float32),
        scratch_types=[
            pltpu.VMEM((bpw, 2 * DIM), jnp.float32),
            pltpu.VMEM((bpw, DIM), jnp.float32),
            pltpu.VMEM((bpw, DIM), jnp.float32),
            pltpu.VMEM((bpw, 2 * DIM), jnp.float32),
            pltpu.VMEM((nsteps, ROWS_PER_DMA), jnp.int32),
            pltpu.VMEM((bpw,), jnp.int32),
            pltpu.VMEM((bpw,), jnp.int32),
            pltpu.VMEM((RING, ROWS_PER_DMA, 2 * DIM), jnp.float32),
            pltpu.VMEM((bpw, NEG_PAD), jnp.float32),
            pltpu.SemaphoreType.DMA,
            pltpu.SemaphoreType.DMA,
            pltpu.SemaphoreType.DMA,
            pltpu.SemaphoreType.DMA,
        ],
    )
    def score_kernel(ent, cos_t, sin_t, hidx, ridx, tidx, out,
                     h_v, c_v, s_v, rot_v, ti_v, hi_v, ri_v, rows_v, o_v,
                     sem0, sem1, sem2, sem3):
        wid = lax.axis_index("s") * NC + lax.axis_index("c")
        base = wid * bpw
        lane0 = lax.iota(jnp.int32, 16) == 0
        sems = (sem0, sem1, sem2, sem3)

        def issue_gather(s, slot):
            pltpu.async_copy(
                ent.at[ti_v.at[s]], rows_v.at[slot], sems[slot])

        def wait_gather(s, slot):
            pltpu.make_async_copy(
                ent.at[ti_v.at[s]], rows_v.at[slot], sems[slot]).wait()

        pltpu.sync_copy(hidx.at[pl.ds(base, bpw)], hi_v)
        pltpu.sync_copy(ridx.at[pl.ds(base, bpw)], ri_v)
        pltpu.sync_copy(tidx.at[pl.ds(wid * nsteps, nsteps)], ti_v)
        ch = pltpu.async_copy(ent.at[hi_v], h_v, sem0)
        cc = pltpu.async_copy(cos_t.at[ri_v], c_v, sem1)
        cs = pltpu.async_copy(sin_t.at[ri_v], s_v, sem2)
        ch.wait()
        cc.wait()
        cs.wait()

        def rot_b(b, carry):
            c0 = c_v[b, 0:16]
            c1 = c_v[b, 16:32]
            s0 = s_v[b, 0:16]
            s1 = s_v[b, 16:32]
            a0 = h_v[b, 0:16]
            a1 = h_v[b, 16:32]
            b0 = h_v[b, 32:48]
            b1 = h_v[b, 48:64]
            rot_v[b, 0:16] = a0 * c0 - b0 * s0
            rot_v[b, 16:32] = a1 * c1 - b1 * s1
            rot_v[b, 32:48] = a0 * s0 + b0 * c0
            rot_v[b, 48:64] = a1 * s1 + b1 * c1
            return carry

        lax.fori_loop(0, bpw, rot_b, 0)

        for s in range(RING - 1):
            issue_gather(s, s)

        def step_body(s, slot):
            @pl.when(s + RING - 1 < nsteps)
            def _prefetch():
                issue_gather(s + RING - 1, (slot + RING - 1) % RING)

            wait_gather(s, slot)

            def body_j(j, carry2):
                b, jc = carry2
                t0 = rows_v[slot, j, 0:16]
                t1 = rows_v[slot, j, 16:32]
                u0 = rows_v[slot, j, 32:48]
                u1 = rows_v[slot, j, 48:64]
                d0 = rot_v[b, 0:16] - t0
                d1 = rot_v[b, 16:32] - t1
                e0 = rot_v[b, 32:48] - u0
                e1 = rot_v[b, 48:64] - u1
                q = _sqrtv(d0 * d0 + e0 * e0) + _sqrtv(d1 * d1 + e1 * e1)
                val = MARGIN - jnp.flip(plsc.cumsum(q))
                plsc.store_scatter(
                    o_v, [jnp.full((16,), b, jnp.int32),
                          jnp.full((16,), jc, jnp.int32)], val, mask=lane0)
                jc2 = jc + 1
                wrap = jc2 == NEG_PAD
                return (b + wrap.astype(jnp.int32),
                        jnp.where(wrap, 0, jc2))

            p0 = s * ROWS_PER_DMA
            b0 = p0 // NEG_PAD
            lax.fori_loop(0, ROWS_PER_DMA, body_j,
                          (b0, p0 - b0 * NEG_PAD), unroll=8)

        def body_i(i, carry):
            for u in range(RING):
                step_body(RING * i + u, u)
            return carry

        lax.fori_loop(0, nsteps // RING, body_i, 0)
        pltpu.sync_copy(o_v, out.at[pl.ds(base, bpw)])

    return score_kernel


def kernel(entity_embedding, relation_embedding, head_part, tail_part):
    batch = tail_part.shape[0]

    cos_t, sin_t = pl.pallas_call(
        _trig_body,
        out_shape=[
            jax.ShapeDtypeStruct(relation_embedding.shape, jnp.float32),
            jax.ShapeDtypeStruct(relation_embedding.shape, jnp.float32),
        ],
    )(relation_embedding)

    head_part = head_part.astype(jnp.int32)
    hidx = head_part[:, 0]
    ridx = head_part[:, 1]
    tidx = jnp.concatenate(
        [head_part[:, 2:3], tail_part.astype(jnp.int32),
         jnp.zeros((batch, NEG_PAD - 1 - tail_part.shape[1]), jnp.int32)],
        axis=1).reshape(-1, ROWS_PER_DMA)

    score_kernel = _make_score_kernel(batch)
    out = score_kernel(entity_embedding, cos_t, sin_t, hidx, ridx, tidx)
    return out[:, : 1 + tail_part.shape[1]]

# --- scband reference (transcript-rebuilt; emitter-appended) ---
"""Pipeline reference for scband-rotat-e-reverse-33234456936851 (READ-ONLY COPY).

The authoritative reference and input builder live on the scoring server;
editing this copy changes nothing except your own understanding.
"""

import jax, jax.numpy as jnp
import numpy as np

NENTITY = 1000000
NRELATION = 1000
DIM = 32
MARGIN = 9.0
EMB_RANGE = MARGIN + 2.0  # 11.0
BATCH = 4096
NEG = 200


def setup_inputs(seed: int = 0) -> dict:
    key = jax.random.key(seed)
    k1, k2, k3, k4 = jax.random.split(key, 4)
    bound = EMB_RANGE / DIM
    entity_embedding = jax.random.uniform(k1, (NENTITY, DIM * 2), dtype=jnp.float32, minval=-bound, maxval=bound)
    relation_embedding = jax.random.uniform(k2, (NRELATION, DIM), dtype=jnp.float32, minval=-bound, maxval=bound)
    head_part = jax.random.randint(k3, (BATCH, 3), 0, NRELATION, dtype=jnp.int64) if jax.config.read('jax_enable_x64') else jax.random.randint(k3, (BATCH, 3), 0, NRELATION).astype(jnp.int32)
    tail_part = jax.random.randint(k4, (BATCH, NEG), 0, NENTITY).astype(jnp.int32)
    return {
        'entity_embedding': entity_embedding,
        'relation_embedding': relation_embedding,
        'head_part': head_part,
        'tail_part': tail_part,
    }


def reference(entity_embedding, relation_embedding, head_part, tail_part):
    pi = 3.141592653589793
    batch_size = tail_part.shape[0]
    neg = tail_part.shape[1]

    # sampling: gathers from embedding tables
    head = jnp.take(entity_embedding, head_part[:, 0], axis=0)[:, None, :]       # [B,1,2*DIM]
    relation = jnp.take(relation_embedding, head_part[:, 1], axis=0)[:, None, :] # [B,1,DIM]
    pos_tail = jnp.take(entity_embedding, head_part[:, 2], axis=0)[:, None, :]   # [B,1,2*DIM]
    neg_tail = jnp.take(entity_embedding, tail_part.reshape(-1), axis=0).reshape(batch_size, neg, -1)
    tail = jnp.concatenate([pos_tail, neg_tail], axis=1)                          # [B,neg+1,2*DIM]

    # stu_func (RotatE score)
    re_head, im_head = jnp.split(head, 2, axis=2)
    re_tail, im_tail = jnp.split(tail, 2, axis=2)
    phase_relation = relation / (EMB_RANGE / DIM / pi)
    re_relation = jnp.cos(phase_relation)
    im_relation = jnp.sin(phase_relation)
    re_score = re_head * re_relation - im_head * im_relation
    im_score = re_head * im_relation + im_head * re_relation
    re_score = re_score - re_tail
    im_score = im_score - im_tail
    score = jnp.stack([re_score, im_score], axis=0)
    score = jnp.linalg.norm(score, axis=0)
    score = score.sum(axis=2)
    score = MARGIN - score
    return score

if __name__ == "__main__":
    import jax
    _d = setup_inputs()
    print(jax.jit(kernel)(*tuple(_d.values())))

</pallas_src>

<mosaic_0001>
#map = affine_map<(d0, d1) -> (0, 0)>
#map1 = affine_map<(d0, d1) -> (0)>
module attributes {stable_mosaic.version = 14 : i64} {
  func.func @score_kernel(%arg0: i32, %arg1: i32, %arg2: memref<1000000x64xf32, #tpu.memory_space<hbm>>, %arg3: memref<1000x32xf32, #tpu.memory_space<hbm>>, %arg4: memref<1000x32xf32, #tpu.memory_space<hbm>>, %arg5: memref<4096xi32, #tpu.memory_space<hbm>>, %arg6: memref<4096xi32, #tpu.memory_space<hbm>>, %arg7: memref<6656x128xi32, #tpu.memory_space<hbm>>, %arg8: memref<4096x208xf32, #tpu.memory_space<hbm>>, %arg9: memref<128x64xf32, #tpu.memory_space<vmem>>, %arg10: memref<128x32xf32, #tpu.memory_space<vmem>>, %arg11: memref<128x32xf32, #tpu.memory_space<vmem>>, %arg12: memref<128x64xf32, #tpu.memory_space<vmem>>, %arg13: memref<208x128xi32, #tpu.memory_space<vmem>>, %arg14: memref<128xi32, #tpu.memory_space<vmem>>, %arg15: memref<128xi32, #tpu.memory_space<vmem>>, %arg16: memref<1x128x64xf32, #tpu.memory_space<vmem>>, %arg17: memref<128x208xf32, #tpu.memory_space<vmem>>, %arg18: memref<!tpu.dma_semaphore, #tpu.memory_space<semaphore_mem>>, %arg19: memref<!tpu.dma_semaphore, #tpu.memory_space<semaphore_mem>>, %arg20: memref<!tpu.dma_semaphore, #tpu.memory_space<semaphore_mem>>, %arg21: memref<!tpu.dma_semaphore, #tpu.memory_space<semaphore_mem>>) attributes {dimension_semantics = [#tpu.dimension_semantics<core_parallel>, #tpu.dimension_semantics<subcore_parallel>], iteration_bounds = array<i64: 2, 16>, scalar_prefetch = 0 : i64, scratch_operands = 13 : i64, tpu.core_type = #tpu.core_type<sc_vector_subcore>, window_params = [{transform_indices = #map}, {transform_indices = #map}, {transform_indices = #map}, {transform_indices = #map1}, {transform_indices = #map1}, {transform_indices = #map}, {transform_indices = #map}]} {
    %mul3A = arith.constant 2 : i32
    %mul3A_0 = arith.muli %arg1, %mul3A : i32
    %add3A = arith.addi %mul3A_0, %arg0 : i32
    %mul3A_1 = arith.constant 128 : i32
    %mul3A_2 = arith.muli %add3A, %mul3A_1 : i32
    %iota3A = tpu.iota {dimensions = array<i32: 0>} : vector<16xi32>
    %eq3A = arith.constant 0 : i32
    %eq3A_3 = vector.broadcast %eq3A : i32 to vector<16xi32>
    %eq3A_4 = arith.cmpi eq, %iota3A, %eq3A_3 : vector<16xi32>
    "tpu.region"() ({
      %run_scoped3A = tpu.sem_alloc : memref<!tpu.dma_semaphore, #tpu.memory_space<semaphore_mem>>
      %dma_start3A_34 = tpu.memref_slice %arg5[%mul3A_2] : memref<4096xi32, #tpu.memory_space<hbm>> -> memref<128xi32, #tpu.memory_space<hbm>>
      %dma_start3A_35 = tpu.memref_slice %arg5[%mul3A_2] : memref<4096xi32, #tpu.memory_space<hbm>> -> memref<128xi32, #tpu.memory_space<hbm>>
      tpu.enqueue_dma source(%dma_start3A_35 : memref<128xi32, #tpu.memory_space<hbm>>) target(%arg14 : memref<128xi32, #tpu.memory_space<vmem>>) target_semaphore(%run_scoped3A : memref<!tpu.dma_semaphore, #tpu.memory_space<semaphore_mem>>)
      %dma_wait3A_36 = tpu.memref_slice %arg5[%mul3A_2] : memref<4096xi32, #tpu.memory_space<hbm>> -> memref<128xi32, #tpu.memory_space<hbm>>
      %dma_wait3A_37 = tpu.memref_slice %arg5[%mul3A_2] : memref<4096xi32, #tpu.memory_space<hbm>> -> memref<128xi32, #tpu.memory_space<hbm>>
      tpu.wait_dma2 semaphore(%run_scoped3A : memref<!tpu.dma_semaphore, #tpu.memory_space<semaphore_mem>>) src(%dma_wait3A_37 : memref<128xi32, #tpu.memory_space<hbm>>) dst(%arg14 : memref<128xi32, #tpu.memory_space<vmem>>)
      tpu.yield
    }) : () -> ()
    "tpu.region"() ({
      %run_scoped3A = tpu.sem_alloc : memref<!tpu.dma_semaphore, #tpu.memory_space<semaphore_mem>>
      %dma_start3A_34 = tpu.memref_slice %arg6[%mul3A_2] : memref<4096xi32, #tpu.memory_space<hbm>> -> memref<128xi32, #tpu.memory_space<hbm>>
      %dma_start3A_35 = tpu.memref_slice %arg6[%mul3A_2] : memref<4096xi32, #tpu.memory_space<hbm>> -> memref<128xi32, #tpu.memory_space<hbm>>
      tpu.enqueue_dma source(%dma_start3A_35 : memref<128xi32, #tpu.memory_space<hbm>>) target(%arg15 : memref<128xi32, #tpu.memory_space<vmem>>) target_semaphore(%run_scoped3A : memref<!tpu.dma_semaphore, #tpu.memory_space<semaphore_mem>>)
      %dma_wait3A_36 = tpu.memref_slice %arg6[%mul3A_2] : memref<4096xi32, #tpu.memory_space<hbm>> -> memref<128xi32, #tpu.memory_space<hbm>>
      %dma_wait3A_37 = tpu.memref_slice %arg6[%mul3A_2] : memref<4096xi32, #tpu.memory_space<hbm>> -> memref<128xi32, #tpu.memory_space<hbm>>
      tpu.wait_dma2 semaphore(%run_scoped3A : memref<!tpu.dma_semaphore, #tpu.memory_space<semaphore_mem>>) src(%dma_wait3A_37 : memref<128xi32, #tpu.memory_space<hbm>>) dst(%arg15 : memref<128xi32, #tpu.memory_space<vmem>>)
      tpu.yield
    }) : () -> ()
    %mul3A_5 = arith.constant 208 : i32
    %mul3A_6 = arith.muli %add3A, %mul3A_5 : i32
    "tpu.region"() ({
      %run_scoped3A = tpu.sem_alloc : memref<!tpu.dma_semaphore, #tpu.memory_space<semaphore_mem>>
      %dma_start3A_34 = arith.constant 0 : i32
      %dma_start3A_35 = tpu.memref_slice %arg7[%mul3A_6, %dma_start3A_34] : memref<6656x128xi32, #tpu.memory_space<hbm>> -> memref<208x128xi32, #tpu.memory_space<hbm>>
      %dma_start3A_36 = arith.constant 0 : i32
      %dma_start3A_37 = tpu.memref_slice %arg7[%mul3A_6, %dma_start3A_36] : memref<6656x128xi32, #tpu.memory_space<hbm>> -> memref<208x128xi32, #tpu.memory_space<hbm>>
      tpu.enqueue_dma source(%dma_start3A_37 : memref<208x128xi32, #tpu.memory_space<hbm>>) target(%arg13 : memref<208x128xi32, #tpu.memory_space<vmem>>) target_semaphore(%run_scoped3A : memref<!tpu.dma_semaphore, #tpu.memory_space<semaphore_mem>>)
      %dma_wait3A_38 = arith.constant 0 : i32
      %dma_wait3A_39 = tpu.memref_slice %arg7[%mul3A_6, %dma_wait3A_38] : memref<6656x128xi32, #tpu.memory_space<hbm>> -> memref<208x128xi32, #tpu.memory_space<hbm>>
      %dma_wait3A_40 = arith.constant 0 : i32
      %dma_wait3A_41 = tpu.memref_slice %arg7[%mul3A_6, %dma_wait3A_40] : memref<6656x128xi32, #tpu.memory_space<hbm>> -> memref<208x128xi32, #tpu.memory_space<hbm>>
      tpu.wait_dma2 semaphore(%run_scoped3A : memref<!tpu.dma_semaphore, #tpu.memory_space<semaphore_mem>>) src(%dma_wait3A_41 : memref<208x128xi32, #tpu.memory_space<hbm>>) dst(%arg13 : memref<208x128xi32, #tpu.memory_space<vmem>>)
      tpu.yield
    }) : () -> ()
    %dma_start3A = arith.constant 0 : i32
    %dma_start3A_7 = arith.constant 0 : i32
    %dma_start3A_8 = tpu.memref_slice %arg2[%dma_start3A, %dma_start3A_7] : memref<1000000x64xf32, #tpu.memory_space<hbm>> -> memref<1000000x64xf32, #tpu.memory_space<hbm>>
    tpu.enqueue_indirect_dma source(%dma_start3A_8 : memref<1000000x64xf32, #tpu.memory_space<hbm>>) target(%arg9 : memref<128x64xf32, #tpu.memory_space<vmem>>) offsets(%arg14 : memref<128xi32, #tpu.memory_space<vmem>>) semaphore(%arg18 : memref<!tpu.dma_semaphore, #tpu.memory_space<semaphore_mem>>)
    %dma_start3A_9 = arith.constant 0 : i32
    %dma_start3A_10 = arith.constant 0 : i32
    %dma_start3A_11 = tpu.memref_slice %arg3[%dma_start3A_9, %dma_start3A_10] : memref<1000x32xf32, #tpu.memory_space<hbm>> -> memref<1000x32xf32, #tpu.memory_space<hbm>>
    tpu.enqueue_indirect_dma source(%dma_start3A_11 : memref<1000x32xf32, #tpu.memory_space<hbm>>) target(%arg10 : memref<128x32xf32, #tpu.memory_space<vmem>>) offsets(%arg15 : memref<128xi32, #tpu.memory_space<vmem>>) semaphore(%arg19 : memref<!tpu.dma_semaphore, #tpu.memory_space<semaphore_mem>>)
    %dma_start3A_12 = arith.constant 0 : i32
    %dma_start3A_13 = arith.constant 0 : i32
    %dma_start3A_14 = tpu.memref_slice %arg4[%dma_start3A_12, %dma_start3A_13] : memref<1000x32xf32, #tpu.memory_space<hbm>> -> memref<1000x32xf32, #tpu.memory_space<hbm>>
    tpu.enqueue_indirect_dma source(%dma_start3A_14 : memref<1000x32xf32, #tpu.memory_space<hbm>>) target(%arg11 : memref<128x32xf32, #tpu.memory_space<vmem>>) offsets(%arg15 : memref<128xi32, #tpu.memory_space<vmem>>) semaphore(%arg20 : memref<!tpu.dma_semaphore, #tpu.memory_space<semaphore_mem>>)
    %dma_wait3A = arith.constant 0 : i32
    %dma_wait3A_15 = arith.constant 0 : i32
    %dma_wait3A_16 = tpu.memref_slice %arg2[%dma_wait3A, %dma_wait3A_15] : memref<1000000x64xf32, #tpu.memory_space<hbm>> -> memref<1000000x64xf32, #tpu.memory_space<hbm>>
    tpu.wait_indirect_dma semaphore(%arg18 : memref<!tpu.dma_semaphore, #tpu.memory_space<semaphore_mem>>) src(%dma_wait3A_16 : memref<1000000x64xf32, #tpu.memory_space<hbm>>) dst(%arg9 : memref<128x64xf32, #tpu.memory_space<vmem>>)
    %dma_wait3A_17 = arith.constant 0 : i32
    %dma_wait3A_18 = arith.constant 0 : i32
    %dma_wait3A_19 = tpu.memref_slice %arg3[%dma_wait3A_17, %dma_wait3A_18] : memref<1000x32xf32, #tpu.memory_space<hbm>> -> memref<1000x32xf32, #tpu.memory_space<hbm>>
    tpu.wait_indirect_dma semaphore(%arg19 : memref<!tpu.dma_semaphore, #tpu.memory_space<semaphore_mem>>) src(%dma_wait3A_19 : memref<1000x32xf32, #tpu.memory_space<hbm>>) dst(%arg10 : memref<128x32xf32, #tpu.memory_space<vmem>>)
    %dma_wait3A_20 = arith.constant 0 : i32
    %dma_wait3A_21 = arith.constant 0 : i32
    %dma_wait3A_22 = tpu.memref_slice %arg4[%dma_wait3A_20, %dma_wait3A_21] : memref<1000x32xf32, #tpu.memory_space<hbm>> -> memref<1000x32xf32, #tpu.memory_space<hbm>>
    tpu.wait_indirect_dma semaphore(%arg20 : memref<!tpu.dma_semaphore, #tpu.memory_space<semaphore_mem>>) src(%dma_wait3A_22 : memref<1000x32xf32, #tpu.memory_space<hbm>>) dst(%arg11 : memref<128x32xf32, #tpu.memory_space<vmem>>)
    %scan3A = arith.constant 0 : i32
    %scan3A_23 = arith.constant 0 : i32
    %scan3A_24 = arith.constant 128 : i32
    %scan3A_25 = arith.addi %scan3A_23, %scan3A_24 : i32
    %scan3A_26 = arith.constant 1 : i32
    scf.for %scan3A_34 = %scan3A_23 to %scan3A_25 step %scan3A_26  : i32 {
      %get3A = arith.index_cast %scan3A_34 : i32 to index
      %get3A_35 = arith.constant 0 : index
      %get3A_36 = tpu.vector_load %arg10[%get3A, %get3A_35] {strides = array<i32>} : memref<128x32xf32, #tpu.memory_space<vmem>>, vector<16xf32>,
      %get3A_37 = arith.index_cast %scan3A_34 : i32 to index
      %get3A_38 = arith.constant 16 : index
      %get3A_39 = tpu.vector_load %arg10[%get3A_37, %get3A_38] {strides = array<i32>} : memref<128x32xf32, #tpu.memory_space<vmem>>, vector<16xf32>,
      %get3A_40 = arith.index_cast %scan3A_34 : i32 to index
      %get3A_41 = arith.constant 0 : index
      %get3A_42 = tpu.vector_load %arg11[%get3A_40, %get3A_41] {strides = array<i32>} : memref<128x32xf32, #tpu.memory_space<vmem>>, vector<16xf32>,
      %get3A_43 = arith.index_cast %scan3A_34 : i32 to index
      %get3A_44 = arith.constant 16 : index
      %get3A_45 = tpu.vector_load %arg11[%get3A_43, %get3A_44] {strides = array<i32>} : memref<128x32xf32, #tpu.memory_space<vmem>>, vector<16xf32>,
      %get3A_46 = arith.index_cast %scan3A_34 : i32 to index
      %get3A_47 = arith.constant 0 : index
      %get3A_48 = tpu.vector_load %arg9[%get3A_46, %get3A_47] {strides = array<i32>} : memref<128x64xf32, #tpu.memory_space<vmem>>, vector<16xf32>,
      %get3A_49 = arith.index_cast %scan3A_34 : i32 to index
      %get3A_50 = arith.constant 16 : index
      %get3A_51 = tpu.vector_load %arg9[%get3A_49, %get3A_50] {strides = array<i32>} : memref<128x64xf32, #tpu.memory_space<vmem>>, vector<16xf32>,
      %get3A_52 = arith.index_cast %scan3A_34 : i32 to index
      %get3A_53 = arith.constant 32 : index
      %get3A_54 = tpu.vector_load %arg9[%get3A_52, %get3A_53] {strides = array<i32>} : memref<128x64xf32, #tpu.memory_space<vmem>>, vector<16xf32>,
      %get3A_55 = arith.index_cast %scan3A_34 : i32 to index
      %get3A_56 = arith.constant 48 : index
      %get3A_57 = tpu.vector_load %arg9[%get3A_55, %get3A_56] {strides = array<i32>} : memref<128x64xf32, #tpu.memory_space<vmem>>, vector<16xf32>,
      %mul3A_58 = arith.mulf %get3A_48, %get3A_36 : vector<16xf32>
      %mul3A_59 = arith.mulf %get3A_54, %get3A_42 : vector<16xf32>
      %sub3A = arith.subf %mul3A_58, %mul3A_59 : vector<16xf32>
      %swap3A = arith.index_cast %scan3A_34 : i32 to index
      %swap3A_60 = arith.constant 0 : index
      %swap3A_61 = tpu.vector_load %arg12[%swap3A, %swap3A_60] {strides = array<i32>} : memref<128x64xf32, #tpu.memory_space<vmem>>, vector<16xf32>,
      tpu.vector_store %arg12[%swap3A, %swap3A_60], %sub3A {strides = array<i32>} : memref<128x64xf32, #tpu.memory_space<vmem>>, vector<16xf32>,
      %mul3A_62 = arith.mulf %get3A_51, %get3A_39 : vector<16xf32>
      %mul3A_63 = arith.mulf %get3A_57, %get3A_45 : vector<16xf32>
      %sub3A_64 = arith.subf %mul3A_62, %mul3A_63 : vector<16xf32>
      %swap3A_65 = arith.index_cast %scan3A_34 : i32 to index
      %swap3A_66 = arith.constant 16 : index
      %swap3A_67 = tpu.vector_load %arg12[%swap3A_65, %swap3A_66] {strides = array<i32>} : memref<128x64xf32, #tpu.memory_space<vmem>>, vector<16xf32>,
      tpu.vector_store %arg12[%swap3A_65, %swap3A_66], %sub3A_64 {strides = array<i32>} : memref<128x64xf32, #tpu.memory_space<vmem>>, vector<16xf32>,
      %mul3A_68 = arith.mulf %get3A_48, %get3A_42 : vector<16xf32>
      %mul3A_69 = arith.mulf %get3A_54, %get3A_36 : vector<16xf32>
      %add3A_70 = arith.addf %mul3A_68, %mul3A_69 : vector<16xf32>
      %swap3A_71 = arith.index_cast %scan3A_34 : i32 to index
      %swap3A_72 = arith.constant 32 : index
      %swap3A_73 = tpu.vector_load %arg12[%swap3A_71, %swap3A_72] {strides = array<i32>} : memref<128x64xf32, #tpu.memory_space<vmem>>, vector<16xf32>,
      tpu.vector_store %arg12[%swap3A_71, %swap3A_72], %add3A_70 {strides = array<i32>} : memref<128x64xf32, #tpu.memory_space<vmem>>, vector<16xf32>,
      %mul3A_74 = arith.mulf %get3A_51, %get3A_45 : vector<16xf32>
      %mul3A_75 = arith.mulf %get3A_57, %get3A_39 : vector<16xf32>
      %add3A_76 = arith.addf %mul3A_74, %mul3A_75 : vector<16xf32>
      %swap3A_77 = arith.index_cast %scan3A_34 : i32 to index
      %swap3A_78 = arith.constant 48 : index
      %swap3A_79 = tpu.vector_load %arg12[%swap3A_77, %swap3A_78] {strides = array<i32>} : memref<128x64xf32, #tpu.memory_space<vmem>>, vector<16xf32>,
      tpu.vector_store %arg12[%swap3A_77, %swap3A_78], %add3A_76 {strides = array<i32>} : memref<128x64xf32, #tpu.memory_space<vmem>>, vector<16xf32>,
    }
    %scan3A_27 = arith.constant 128 : i32
    %scan3A_28 = arith.constant 0 : i32
    %scan3A_29 = arith.constant 0 : i32
    %scan3A_30 = arith.constant 208 : i32
    %scan3A_31 = arith.addi %scan3A_29, %scan3A_30 : i32
    %scan3A_32 = arith.constant 1 : i32
    scf.for %scan3A_34 = %scan3A_29 to %scan3A_31 step %scan3A_32  : i32 {
      %mul3A_35 = arith.constant 1 : i32
      %mul3A_36 = arith.muli %mul3A_35, %scan3A_34 : i32
      %add3A_37 = arith.constant 0 : i32
      %add3A_38 = arith.addi %mul3A_36, %add3A_37 : i32
      %add3A_39 = arith.constant 1 : i32
      %add3A_40 = arith.addi %add3A_38, %add3A_39 : i32
      %sub3A = arith.constant 1 : i32
      %sub3A_41 = arith.subi %add3A_40, %sub3A : i32
      %lt3A = arith.constant 208 : i32
      %lt3A_42 = arith.cmpi slt, %sub3A_41, %lt3A : i32
      %convert_element_type3A = arith.extui %lt3A_42 : i1 to i32
      %cond3A = arith.constant 0 : i32
      %cond3A_43 = arith.cmpi ne, %convert_element_type3A, %cond3A : i32
      scf.if %cond3A_43 {
        %add3A_83 = arith.constant 1 : i32
        %add3A_84 = arith.addi %add3A_38, %add3A_83 : i32
        %sub3A_85 = arith.constant 1 : i32
        %sub3A_86 = arith.subi %add3A_84, %sub3A_85 : i32
        %dma_start3A_87 = arith.constant 0 : i32
        %dma_start3A_88 = arith.constant 0 : i32
        %dma_start3A_89 = arith.constant 0 : i32
        %dma_start3A_90 = tpu.memref_slice %arg16[%dma_start3A_87, %dma_start3A_88, %dma_start3A_89] : memref<1x128x64xf32, #tpu.memory_space<vmem>> -> memref<1x128x64xf32, #tpu.memory_space<vmem>>
        %dma_start3A_91 = tpu.memref_squeeze %dma_start3A_90 : memref<1x128x64xf32, #tpu.memory_space<vmem>> -> memref<128x64xf32, #tpu.memory_space<vmem>>
        %dma_start3A_92 = arith.constant 0 : i32
        %dma_start3A_93 = tpu.memref_slice %arg13[%sub3A_86, %dma_start3A_92] : memref<208x128xi32, #tpu.memory_space<vmem>> -> memref<1x128xi32, #tpu.memory_space<vmem>>
        %dma_start3A_94 = tpu.memref_squeeze %dma_start3A_93 : memref<1x128xi32, #tpu.memory_space<vmem>> -> memref<128xi32, #tpu.memory_space<vmem>>
        %dma_start3A_95 = arith.constant 0 : i32
        %dma_start3A_96 = arith.constant 0 : i32
        %dma_start3A_97 = tpu.memref_slice %arg2[%dma_start3A_95, %dma_start3A_96] : memref<1000000x64xf32, #tpu.memory_space<hbm>> -> memref<1000000x64xf32, #tpu.memory_space<hbm>>
        tpu.enqueue_indirect_dma source(%dma_start3A_97 : memref<1000000x64xf32, #tpu.memory_space<hbm>>) target(%dma_start3A_91 : memref<128x64xf32, #tpu.memory_space<vmem>>) offsets(%dma_start3A_94 : memref<128xi32, #tpu.memory_space<vmem>>) semaphore(%arg18 : memref<!tpu.dma_semaphore, #tpu.memory_space<semaphore_mem>>)
      } else {
      }
      %dma_wait3A_44 = arith.constant 0 : i32
      %dma_wait3A_45 = arith.constant 0 : i32
      %dma_wait3A_46 = arith.constant 0 : i32
      %dma_wait3A_47 = tpu.memref_slice %arg16[%dma_wait3A_44, %dma_wait3A_45, %dma_wait3A_46] : memref<1x128x64xf32, #tpu.memory_space<vmem>> -> memref<1x128x64xf32, #tpu.memory_space<vmem>>
      %dma_wait3A_48 = tpu.memref_squeeze %dma_wait3A_47 : memref<1x128x64xf32, #tpu.memory_space<vmem>> -> memref<128x64xf32, #tpu.memory_space<vmem>>
      %dma_wait3A_49 = arith.constant 0 : i32
      %dma_wait3A_50 = tpu.memref_slice %arg13[%add3A_38, %dma_wait3A_49] : memref<208x128xi32, #tpu.memory_space<vmem>> -> memref<1x128xi32, #tpu.memory_space<vmem>>
      %dma_wait3A_51 = tpu.memref_squeeze %dma_wait3A_50 : memref<1x128xi32, #tpu.memory_space<vmem>> -> memref<128xi32, #tpu.memory_space<vmem>>
      %dma_wait3A_52 = arith.constant 0 : i32
      %dma_wait3A_53 = arith.constant 0 : i32
      %dma_wait3A_54 = tpu.memref_slice %arg2[%dma_wait3A_52, %dma_wait3A_53] : memref<1000000x64xf32, #tpu.memory_space<hbm>> -> memref<1000000x64xf32, #tpu.memory_space<hbm>>
      tpu.wait_indirect_dma semaphore(%arg18 : memref<!tpu.dma_semaphore, #tpu.memory_space<semaphore_mem>>) src(%dma_wait3A_54 : memref<1000000x64xf32, #tpu.memory_space<hbm>>) dst(%dma_wait3A_48 : memref<128x64xf32, #tpu.memory_space<vmem>>)
      %mul3A_55 = arith.constant 128 : i32
      %mul3A_56 = arith.muli %add3A_38, %mul3A_55 : i32
      %jit3A = arith.constant 208 : i32
      %div3A = arith.divsi %mul3A_56, %jit3A : i32
      %sign3A = arith.constant 0 : i32
      %sign3A_57 = arith.cmpi sgt, %mul3A_56, %sign3A : i32
      %sign3A_58 = arith.extui %sign3A_57 : i1 to i32
      %sign3A_59 = arith.constant 0 : i32
      %sign3A_60 = arith.cmpi slt, %mul3A_56, %sign3A_59 : i32
      %sign3A_61 = arith.extui %sign3A_60 : i1 to i32
      %sign3A_62 = arith.subi %sign3A_58, %sign3A_61 : i32
      %sign3A_63 = arith.constant 0 : i32
      %sign3A_64 = arith.cmpi sgt, %jit3A, %sign3A_63 : i32
      %sign3A_65 = arith.extui %sign3A_64 : i1 to i32
      %sign3A_66 = arith.constant 0 : i32
      %sign3A_67 = arith.cmpi slt, %jit3A, %sign3A_66 : i32
      %sign3A_68 = arith.extui %sign3A_67 : i1 to i32
      %sign3A_69 = arith.subi %sign3A_65, %sign3A_68 : i32
      %ne3A = arith.cmpi ne, %sign3A_62, %sign3A_69 : i32
      %rem3A = arith.remsi %mul3A_56, %jit3A : i32
      %ne3A_70 = arith.constant 0 : i32
      %ne3A_71 = arith.cmpi ne, %rem3A, %ne3A_70 : i32
      %and3A = arith.andi %ne3A, %ne3A_71 : i1
      %sub3A_72 = arith.constant 1 : i32
      %sub3A_73 = arith.subi %div3A, %sub3A_72 : i32
      %select_n3A = arith.select %and3A, %sub3A_73, %div3A : i32
      %mul3A_74 = arith.constant 208 : i32
      %mul3A_75 = arith.muli %select_n3A, %mul3A_74 : i32
      %sub3A_76 = arith.subi %mul3A_56, %mul3A_75 : i32
      %scan3A_77 = arith.constant 0 : i32
      %scan3A_78 = arith.constant 128 : i32
      %scan3A_79 = arith.addi %scan3A_77, %scan3A_78 : i32
      %scan3A_80 = arith.constant 8 : i32
      %scan3A_81:2 = scf.for %scan3A_83 = %scan3A_77 to %scan3A_79 step %scan3A_80 iter_args(%scan3A_84 = %select_n3A, %scan3A_85 = %sub3A_76) -> (i32, i32)  : i32 {
        %get3A = arith.constant 0 : i32
        %get3A_86 = arith.index_cast %get3A : i32 to index
        %get3A_87 = arith.index_cast %scan3A_83 : i32 to index
        %get3A_88 = arith.constant 0 : index
        %get3A_89 = tpu.vector_load %arg16[%get3A_86, %get3A_87, %get3A_88] {strides = array<i32>} : memref<1x128x64xf32, #tpu.memory_space<vmem>>, vector<16xf32>,
        %get3A_90 = arith.constant 0 : i32
        %get3A_91 = arith.index_cast %get3A_90 : i32 to index
        %get3A_92 = arith.index_cast %scan3A_83 : i32 to index
        %get3A_93 = arith.constant 16 : index
        %get3A_94 = tpu.vector_load %arg16[%get3A_91, %get3A_92, %get3A_93] {strides = array<i32>} : memref<1x128x64xf32, #tpu.memory_space<vmem>>, vector<16xf32>,
        %get3A_95 = arith.constant 0 : i32
        %get3A_96 = arith.index_cast %get3A_95 : i32 to index
        %get3A_97 = arith.index_cast %scan3A_83 : i32 to index
        %get3A_98 = arith.constant 32 : index
        %get3A_99 = tpu.vector_load %arg16[%get3A_96, %get3A_97, %get3A_98] {strides = array<i32>} : memref<1x128x64xf32, #tpu.memory_space<vmem>>, vector<16xf32>,
        %get3A_100 = arith.constant 0 : i32
        %get3A_101 = arith.index_cast %get3A_100 : i32 to index
        %get3A_102 = arith.index_cast %scan3A_83 : i32 to index
        %get3A_103 = arith.constant 48 : index
        %get3A_104 = tpu.vector_load %arg16[%get3A_101, %get3A_102, %get3A_103] {strides = array<i32>} : memref<1x128x64xf32, #tpu.memory_space<vmem>>, vector<16xf32>,
        %get3A_105 = arith.index_cast %scan3A_84 : i32 to index
        %get3A_106 = arith.constant 0 : index
        %get3A_107 = tpu.vector_load %arg12[%get3A_105, %get3A_106] {strides = array<i32>} : memref<128x64xf32, #tpu.memory_space<vmem>>, vector<16xf32>,
        %sub3A_108 = arith.subf %get3A_107, %get3A_89 : vector<16xf32>
        %get3A_109 = arith.index_cast %scan3A_84 : i32 to index
        %get3A_110 = arith.constant 16 : index
        %get3A_111 = tpu.vector_load %arg12[%get3A_109, %get3A_110] {strides = array<i32>} : memref<128x64xf32, #tpu.memory_space<vmem>>, vector<16xf32>,
        %sub3A_112 = arith.subf %get3A_111, %get3A_94 : vector<16xf32>
        %get3A_113 = arith.index_cast %scan3A_84 : i32 to index
        %get3A_114 = arith.constant 32 : index
        %get3A_115 = tpu.vector_load %arg12[%get3A_113, %get3A_114] {strides = array<i32>} : memref<128x64xf32, #tpu.memory_space<vmem>>, vector<16xf32>,
        %sub3A_116 = arith.subf %get3A_115, %get3A_99 : vector<16xf32>
        %get3A_117 = arith.index_cast %scan3A_84 : i32 to index
        %get3A_118 = arith.constant 48 : index
        %get3A_119 = tpu.vector_load %arg12[%get3A_117, %get3A_118] {strides = array<i32>} : memref<128x64xf32, #tpu.memory_space<vmem>>, vector<16xf32>,
        %sub3A_120 = arith.subf %get3A_119, %get3A_104 : vector<16xf32>
        %mul3A_121 = arith.mulf %sub3A_108, %sub3A_108 : vector<16xf32>
        %mul3A_122 = arith.mulf %sub3A_116, %sub3A_116 : vector<16xf32>
        %add3A_123 = arith.addf %mul3A_121, %mul3A_122 : vector<16xf32>
        %bitcast3A = vector.bitcast %add3A_123 : vector<16xf32> to vector<16xi32>
        %shift_right_arithmetic3A = arith.constant 1 : i32
        %shift_right_arithmetic3A_124 = vector.broadcast %shift_right_arithmetic3A : i32 to vector<16xi32>
        %shift_right_arithmetic3A_125 = arith.shrsi %bitcast3A, %shift_right_arithmetic3A_124 : vector<16xi32>
        %sub3A_126 = arith.constant 1597463007 : i32
        %sub3A_127 = vector.broadcast %sub3A_126 : i32 to vector<16xi32>
        %sub3A_128 = arith.subi %sub3A_127, %shift_right_arithmetic3A_125 : vector<16xi32>
        %bitcast3A_129 = vector.bitcast %sub3A_128 : vector<16xi32> to vector<16xf32>
        %mul3A_130 = arith.constant 5.000000e-01 : f32
        %mul3A_131 = vector.broadcast %mul3A_130 : f32 to vector<16xf32>
        %mul3A_132 = arith.mulf %add3A_123, %mul3A_131 : vector<16xf32>
        %mul3A_133 = arith.mulf %mul3A_132, %bitcast3A_129 : vector<16xf32>
        %mul3A_134 = arith.mulf %mul3A_133, %bitcast3A_129 : vector<16xf32>
        %sub3A_135 = arith.constant 1.500000e+00 : f32
        %sub3A_136 = vector.broadcast %sub3A_135 : f32 to vector<16xf32>
        %sub3A_137 = arith.subf %sub3A_136, %mul3A_134 : vector<16xf32>
        %mul3A_138 = arith.mulf %bitcast3A_129, %sub3A_137 : vector<16xf32>
        %mul3A_139 = arith.mulf %mul3A_132, %mul3A_138 : vector<16xf32>
        %mul3A_140 = arith.mulf %mul3A_139, %mul3A_138 : vector<16xf32>
        %sub3A_141 = arith.constant 1.500000e+00 : f32
        %sub3A_142 = vector.broadcast %sub3A_141 : f32 to vector<16xf32>
        %sub3A_143 = arith.subf %sub3A_142, %mul3A_140 : vector<16xf32>
        %mul3A_144 = arith.mulf %mul3A_138, %sub3A_143 : vector<16xf32>
        %mul3A_145 = arith.mulf %add3A_123, %mul3A_144 : vector<16xf32>
        %mul3A_146 = arith.mulf %sub3A_112, %sub3A_112 : vector<16xf32>
        %mul3A_147 = arith.mulf %sub3A_120, %sub3A_120 : vector<16xf32>
        %add3A_148 = arith.addf %mul3A_146, %mul3A_147 : vector<16xf32>
        %bitcast3A_149 = vector.bitcast %add3A_148 : vector<16xf32> to vector<16xi32>
        %shift_right_arithmetic3A_150 = arith.constant 1 : i32
        %shift_right_arithmetic3A_151 = vector.broadcast %shift_right_arithmetic3A_150 : i32 to vector<16xi32>
        %shift_right_arithmetic3A_152 = arith.shrsi %bitcast3A_149, %shift_right_arithmetic3A_151 : vector<16xi32>
        %sub3A_153 = arith.constant 1597463007 : i32
        %sub3A_154 = vector.broadcast %sub3A_153 : i32 to vector<16xi32>
        %sub3A_155 = arith.subi %sub3A_154, %shift_right_arithmetic3A_152 : vector<16xi32>
        %bitcast3A_156 = vector.bitcast %sub3A_155 : vector<16xi32> to vector<16xf32>
        %mul3A_157 = arith.constant 5.000000e-01 : f32
        %mul3A_158 = vector.broadcast %mul3A_157 : f32 to vector<16xf32>
        %mul3A_159 = arith.mulf %add3A_148, %mul3A_158 : vector<16xf32>
        %mul3A_160 = arith.mulf %mul3A_159, %bitcast3A_156 : vector<16xf32>
        %mul3A_161 = arith.mulf %mul3A_160, %bitcast3A_156 : vector<16xf32>
        %sub3A_162 = arith.constant 1.500000e+00 : f32
        %sub3A_163 = vector.broadcast %sub3A_162 : f32 to vector<16xf32>
        %sub3A_164 = arith.subf %sub3A_163, %mul3A_161 : vector<16xf32>
        %mul3A_165 = arith.mulf %bitcast3A_156, %sub3A_164 : vector<16xf32>
        %mul3A_166 = arith.mulf %mul3A_159, %mul3A_165 : vector<16xf32>
        %mul3A_167 = arith.mulf %mul3A_166, %mul3A_165 : vector<16xf32>
        %sub3A_168 = arith.constant 1.500000e+00 : f32
        %sub3A_169 = vector.broadcast %sub3A_168 : f32 to vector<16xf32>
        %sub3A_170 = arith.subf %sub3A_169, %mul3A_167 : vector<16xf32>
        %mul3A_171 = arith.mulf %mul3A_165, %sub3A_170 : vector<16xf32>
        %mul3A_172 = arith.mulf %add3A_148, %mul3A_171 : vector<16xf32>
        %add3A_173 = arith.addf %mul3A_145, %mul3A_172 : vector<16xf32>
        %broadcast_in_dim3A = arith.constant true
        %broadcast_in_dim3A_174 = vector.broadcast %broadcast_in_dim3A : i1 to vector<16xi1>
        %masked_cumsum3A = tpu.scan <sum>, %add3A_173 masked %broadcast_in_dim3A_174 : vector<16xf32>, vector<16xi1> -> vector<16xf32>
        %rev3A = arith.constant 15 : i32
        %rev3A_175 = vector.broadcast %rev3A : i32 to vector<16xi32>
        %rev3A_176 = tpu.iota {dimensions = array<i32: 0>} : vector<16xi32>
        %rev3A_177 = arith.subi %rev3A_175, %rev3A_176 : vector<16xi32>
        %rev3A_178 = tpu.dynamic_gather %masked_cumsum3A[%rev3A_177] in [0] : vector<16xf32>, vector<16xi32> -> vector<16xf32>
        %sub3A_179 = arith.constant 9.000000e+00 : f32
        %sub3A_180 = vector.broadcast %sub3A_179 : f32 to vector<16xf32>
        %sub3A_181 = arith.subf %sub3A_180, %rev3A_178 : vector<16xf32>
        %broadcast_in_dim3A_182 = vector.broadcast %scan3A_84 : i32 to vector<16xi32>
        %broadcast_in_dim3A_183 = vector.broadcast %scan3A_85 : i32 to vector<16xi32>
        tpu.vector_store_idx %arg17[%broadcast_in_dim3A_182, %broadcast_in_dim3A_183], %sub3A_181 masked %eq3A_4 : memref<128x208xf32, #tpu.memory_space<vmem>>[vector<16xi32>, vector<16xi32>], vector<16xf32>, vector<16xi1>
        %add3A_184 = arith.constant 1 : i32
        %add3A_185 = arith.addi %scan3A_85, %add3A_184 : i32
        %eq3A_186 = arith.constant 208 : i32
        %eq3A_187 = arith.cmpi eq, %add3A_185, %eq3A_186 : i32
        %convert_element_type3A_188 = arith.extui %eq3A_187 : i1 to i32
        %add3A_189 = arith.addi %scan3A_84, %convert_element_type3A_188 : i32
        %jit3A_190 = arith.constant 0 : i32
        %select_n3A_191 = arith.select %eq3A_187, %jit3A_190, %add3A_185 : i32
        %scan3A_192 = arith.constant 1 : i32
        %scan3A_193 = arith.addi %scan3A_83, %scan3A_192 : i32
        %get3A_194 = arith.constant 0 : i32
        %get3A_195 = arith.index_cast %get3A_194 : i32 to index
        %get3A_196 = arith.index_cast %scan3A_193 : i32 to index
        %get3A_197 = arith.constant 0 : index
        %get3A_198 = tpu.vector_load %arg16[%get3A_195, %get3A_196, %get3A_197] {strides = array<i32>} : memref<1x128x64xf32, #tpu.memory_space<vmem>>, vector<16xf32>,
        %get3A_199 = arith.constant 0 : i32
        %get3A_200 = arith.index_cast %get3A_199 : i32 to index
        %get3A_201 = arith.index_cast %scan3A_193 : i32 to index
        %get3A_202 = arith.constant 16 : index
        %get3A_203 = tpu.vector_load %arg16[%get3A_200, %get3A_201, %get3A_202] {strides = array<i32>} : memref<1x128x64xf32, #tpu.memory_space<vmem>>, vector<16xf32>,
        %get3A_204 = arith.constant 0 : i32
        %get3A_205 = arith.index_cast %get3A_204 : i32 to index
        %get3A_206 = arith.index_cast %scan3A_193 : i32 to index
        %get3A_207 = arith.constant 32 : index
        %get3A_208 = tpu.vector_load %arg16[%get3A_205, %get3A_206, %get3A_207] {strides = array<i32>} : memref<1x128x64xf32, #tpu.memory_space<vmem>>, vector<16xf32>,
        %get3A_209 = arith.constant 0 : i32
        %get3A_210 = arith.index_cast %get3A_209 : i32 to index
        %get3A_211 = arith.index_cast %scan3A_193 : i32 to index
        %get3A_212 = arith.constant 48 : index
        %get3A_213 = tpu.vector_load %arg16[%get3A_210, %get3A_211, %get3A_212] {strides = array<i32>} : memref<1x128x64xf32, #tpu.memory_space<vmem>>, vector<16xf32>,
        %get3A_214 = arith.index_cast %add3A_189 : i32 to index
        %get3A_215 = arith.constant 0 : index
        %get3A_216 = tpu.vector_load %arg12[%get3A_214, %get3A_215] {strides = array<i32>} : memref<128x64xf32, #tpu.memory_space<vmem>>, vector<16xf32>,
        %sub3A_217 = arith.subf %get3A_216, %get3A_198 : vector<16xf32>
        %get3A_218 = arith.index_cast %add3A_189 : i32 to index
        %get3A_219 = arith.constant 16 : index
        %get3A_220 = tpu.vector_load %arg12[%get3A_218, %get3A_219] {strides = array<i32>} : memref<128x64xf32, #tpu.memory_space<vmem>>, vector<16xf32>,
        %sub3A_221 = arith.subf %get3A_220, %get3A_203 : vector<16xf32>
        %get3A_222 = arith.index_cast %add3A_189 : i32 to index
        %get3A_223 = arith.constant 32 : index
        %get3A_224 = tpu.vector_load %arg12[%get3A_222, %get3A_223] {strides = array<i32>} : memref<128x64xf32, #tpu.memory_space<vmem>>, vector<16xf32>,
        %sub3A_225 = arith.subf %get3A_224, %get3A_208 : vector<16xf32>
        %get3A_226 = arith.index_cast %add3A_189 : i32 to index
        %get3A_227 = arith.constant 48 : index
        %get3A_228 = tpu.vector_load %arg12[%get3A_226, %get3A_227] {strides = array<i32>} : memref<128x64xf32, #tpu.memory_space<vmem>>, vector<16xf32>,
        %sub3A_229 = arith.subf %get3A_228, %get3A_213 : vector<16xf32>
        %mul3A_230 = arith.mulf %sub3A_217, %sub3A_217 : vector<16xf32>
        %mul3A_231 = arith.mulf %sub3A_225, %sub3A_225 : vector<16xf32>
        %add3A_232 = arith.addf %mul3A_230, %mul3A_231 : vector<16xf32>
        %bitcast3A_233 = vector.bitcast %add3A_232 : vector<16xf32> to vector<16xi32>
        %shift_right_arithmetic3A_234 = arith.constant 1 : i32
        %shift_right_arithmetic3A_235 = vector.broadcast %shift_right_arithmetic3A_234 : i32 to vector<16xi32>
        %shift_right_arithmetic3A_236 = arith.shrsi %bitcast3A_233, %shift_right_arithmetic3A_235 : vector<16xi32>
        %sub3A_237 = arith.constant 1597463007 : i32
        %sub3A_238 = vector.broadcast %sub3A_237 : i32 to vector<16xi32>
        %sub3A_239 = arith.subi %sub3A_238, %shift_right_arithmetic3A_236 : vector<16xi32>
        %bitcast3A_240 = vector.bitcast %sub3A_239 : vector<16xi32> to vector<16xf32>
        %mul3A_241 = arith.constant 5.000000e-01 : f32
        %mul3A_242 = vector.broadcast %mul3A_241 : f32 to vector<16xf32>
        %mul3A_243 = arith.mulf %add3A_232, %mul3A_242 : vector<16xf32>
        %mul3A_244 = arith.mulf %mul3A_243, %bitcast3A_240 : vector<16xf32>
        %mul3A_245 = arith.mulf %mul3A_244, %bitcast3A_240 : vector<16xf32>
        %sub3A_246 = arith.constant 1.500000e+00 : f32
        %sub3A_247 = vector.broadcast %sub3A_246 : f32 to vector<16xf32>
        %sub3A_248 = arith.subf %sub3A_247, %mul3A_245 : vector<16xf32>
        %mul3A_249 = arith.mulf %bitcast3A_240, %sub3A_248 : vector<16xf32>
        %mul3A_250 = arith.mulf %mul3A_243, %mul3A_249 : vector<16xf32>
        %mul3A_251 = arith.mulf %mul3A_250, %mul3A_249 : vector<16xf32>
        %sub3A_252 = arith.constant 1.500000e+00 : f32
        %sub3A_253 = vector.broadcast %sub3A_252 : f32 to vector<16xf32>
        %sub3A_254 = arith.subf %sub3A_253, %mul3A_251 : vector<16xf32>
        %mul3A_255 = arith.mulf %mul3A_249, %sub3A_254 : vector<16xf32>
        %mul3A_256 = arith.mulf %add3A_232, %mul3A_255 : vector<16xf32>
        %mul3A_257 = arith.mulf %sub3A_221, %sub3A_221 : vector<16xf32>
        %mul3A_258 = arith.mulf %sub3A_229, %sub3A_229 : vector<16xf32>
        %add3A_259 = arith.addf %mul3A_257, %mul3A_258 : vector<16xf32>
        %bitcast3A_260 = vector.bitcast %add3A_259 : vector<16xf32> to vector<16xi32>
        %shift_right_arithmetic3A_261 = arith.constant 1 : i32
        %shift_right_arithmetic3A_262 = vector.broadcast %shift_right_arithmetic3A_261 : i32 to vector<16xi32>
        %shift_right_arithmetic3A_263 = arith.shrsi %bitcast3A_260, %shift_right_arithmetic3A_262 : vector<16xi32>
        %sub3A_264 = arith.constant 1597463007 : i32
        %sub3A_265 = vector.broadcast %sub3A_264 : i32 to vector<16xi32>
        %sub3A_266 = arith.subi %sub3A_265, %shift_right_arithmetic3A_263 : vector<16xi32>
        %bitcast3A_267 = vector.bitcast %sub3A_266 : vector<16xi32> to vector<16xf32>
        %mul3A_268 = arith.constant 5.000000e-01 : f32
        %mul3A_269 = vector.broadcast %mul3A_268 : f32 to vector<16xf32>
        %mul3A_270 = arith.mulf %add3A_259, %mul3A_269 : vector<16xf32>
        %mul3A_271 = arith.mulf %mul3A_270, %bitcast3A_267 : vector<16xf32>
        %mul3A_272 = arith.mulf %mul3A_271, %bitcast3A_267 : vector<16xf32>
        %sub3A_273 = arith.constant 1.500000e+00 : f32
        %sub3A_274 = vector.broadcast %sub3A_273 : f32 to vector<16xf32>
        %sub3A_275 = arith.subf %sub3A_274, %mul3A_272 : vector<16xf32>
        %mul3A_276 = arith.mulf %bitcast3A_267, %sub3A_275 : vector<16xf32>
        %mul3A_277 = arith.mulf %mul3A_270, %mul3A_276 : vector<16xf32>
        %mul3A_278 = arith.mulf %mul3A_277, %mul3A_276 : vector<16xf32>
        %sub3A_279 = arith.constant 1.500000e+00 : f32
        %sub3A_280 = vector.broadcast %sub3A_279 : f32 to vector<16xf32>
        %sub3A_281 = arith.subf %sub3A_280, %mul3A_278 : vector<16xf32>
        %mul3A_282 = arith.mulf %mul3A_276, %sub3A_281 : vector<16xf32>
        %mul3A_283 = arith.mulf %add3A_259, %mul3A_282 : vector<16xf32>
        %add3A_284 = arith.addf %mul3A_256, %mul3A_283 : vector<16xf32>
        %broadcast_in_dim3A_285 = arith.constant true
        %broadcast_in_dim3A_286 = vector.broadcast %broadcast_in_dim3A_285 : i1 to vector<16xi1>
        %masked_cumsum3A_287 = tpu.scan <sum>, %add3A_284 masked %broadcast_in_dim3A_286 : vector<16xf32>, vector<16xi1> -> vector<16xf32>
        %rev3A_288 = arith.constant 15 : i32
        %rev3A_289 = vector.broadcast %rev3A_288 : i32 to vector<16xi32>
        %rev3A_290 = tpu.iota {dimensions = array<i32: 0>} : vector<16xi32>
        %rev3A_291 = arith.subi %rev3A_289, %rev3A_290 : vector<16xi32>
        %rev3A_292 = tpu.dynamic_gather %masked_cumsum3A_287[%rev3A_291] in [0] : vector<16xf32>, vector<16xi32> -> vector<16xf32>
        %sub3A_293 = arith.constant 9.000000e+00 : f32
        %sub3A_294 = vector.broadcast %sub3A_293 : f32 to vector<16xf32>
        %sub3A_295 = arith.subf %sub3A_294, %rev3A_292 : vector<16xf32>
        %broadcast_in_dim3A_296 = vector.broadcast %add3A_189 : i32 to vector<16xi32>
        %broadcast_in_dim3A_297 = vector.broadcast %select_n3A_191 : i32 to vector<16xi32>
        tpu.vector_store_idx %arg17[%broadcast_in_dim3A_296, %broadcast_in_dim3A_297], %sub3A_295 masked %eq3A_4 : memref<128x208xf32, #tpu.memory_space<vmem>>[vector<16xi32>, vector<16xi32>], vector<16xf32>, vector<16xi1>
        %add3A_298 = arith.constant 1 : i32
        %add3A_299 = arith.addi %select_n3A_191, %add3A_298 : i32
        %eq3A_300 = arith.constant 208 : i32
        %eq3A_301 = arith.cmpi eq, %add3A_299, %eq3A_300 : i32
        %convert_element_type3A_302 = arith.extui %eq3A_301 : i1 to i32
        %add3A_303 = arith.addi %add3A_189, %convert_element_type3A_302 : i32
        %jit3A_304 = arith.constant 0 : i32
        %select_n3A_305 = arith.select %eq3A_301, %jit3A_304, %add3A_299 : i32
        %scan3A_306 = arith.constant 2 : i32
        %scan3A_307 = arith.addi %scan3A_83, %scan3A_306 : i32
        %get3A_308 = arith.constant 0 : i32
        %get3A_309 = arith.index_cast %get3A_308 : i32 to index
        %get3A_310 = arith.index_cast %scan3A_307 : i32 to index
        %get3A_311 = arith.constant 0 : index
        %get3A_312 = tpu.vector_load %arg16[%get3A_309, %get3A_310, %get3A_311] {strides = array<i32>} : memref<1x128x64xf32, #tpu.memory_space<vmem>>, vector<16xf32>,
        %get3A_313 = arith.constant 0 : i32
        %get3A_314 = arith.index_cast %get3A_313 : i32 to index
        %get3A_315 = arith.index_cast %scan3A_307 : i32 to index
        %get3A_316 = arith.constant 16 : index
        %get3A_317 = tpu.vector_load %arg16[%get3A_314, %get3A_315, %get3A_316] {strides = array<i32>} : memref<1x128x64xf32, #tpu.memory_space<vmem>>, vector<16xf32>,
        %get3A_318 = arith.constant 0 : i32
        %get3A_319 = arith.index_cast %get3A_318 : i32 to index
        %get3A_320 = arith.index_cast %scan3A_307 : i32 to index
        %get3A_321 = arith.constant 32 : index
        %get3A_322 = tpu.vector_load %arg16[%get3A_319, %get3A_320, %get3A_321] {strides = array<i32>} : memref<1x128x64xf32, #tpu.memory_space<vmem>>, vector<16xf32>,
        %get3A_323 = arith.constant 0 : i32
        %get3A_324 = arith.index_cast %get3A_323 : i32 to index
        %get3A_325 = arith.index_cast %scan3A_307 : i32 to index
        %get3A_326 = arith.constant 48 : index
        %get3A_327 = tpu.vector_load %arg16[%get3A_324, %get3A_325, %get3A_326] {strides = array<i32>} : memref<1x128x64xf32, #tpu.memory_space<vmem>>, vector<16xf32>,
        %get3A_328 = arith.index_cast %add3A_303 : i32 to index
        %get3A_329 = arith.constant 0 : index
        %get3A_330 = tpu.vector_load %arg12[%get3A_328, %get3A_329] {strides = array<i32>} : memref<128x64xf32, #tpu.memory_space<vmem>>, vector<16xf32>,
        %sub3A_331 = arith.subf %get3A_330, %get3A_312 : vector<16xf32>
        %get3A_332 = arith.index_cast %add3A_303 : i32 to index
        %get3A_333 = arith.constant 16 : index
        %get3A_334 = tpu.vector_load %arg12[%get3A_332, %get3A_333] {strides = array<i32>} : memref<128x64xf32, #tpu.memory_space<vmem>>, vector<16xf32>,
        %sub3A_335 = arith.subf %get3A_334, %get3A_317 : vector<16xf32>
        %get3A_336 = arith.index_cast %add3A_303 : i32 to index
        %get3A_337 = arith.constant 32 : index
        %get3A_338 = tpu.vector_load %arg12[%get3A_336, %get3A_337] {strides = array<i32>} : memref<128x64xf32, #tpu.memory_space<vmem>>, vector<16xf32>,
        %sub3A_339 = arith.subf %get3A_338, %get3A_322 : vector<16xf32>
        %get3A_340 = arith.index_cast %add3A_303 : i32 to index
        %get3A_341 = arith.constant 48 : index
        %get3A_342 = tpu.vector_load %arg12[%get3A_340, %get3A_341] {strides = array<i32>} : memref<128x64xf32, #tpu.memory_space<vmem>>, vector<16xf32>,
        %sub3A_343 = arith.subf %get3A_342, %get3A_327 : vector<16xf32>
        %mul3A_344 = arith.mulf %sub3A_331, %sub3A_331 : vector<16xf32>
        %mul3A_345 = arith.mulf %sub3A_339, %sub3A_339 : vector<16xf32>
        %add3A_346 = arith.addf %mul3A_344, %mul3A_345 : vector<16xf32>
        %bitcast3A_347 = vector.bitcast %add3A_346 : vector<16xf32> to vector<16xi32>
        %shift_right_arithmetic3A_348 = arith.constant 1 : i32
        %shift_right_arithmetic3A_349 = vector.broadcast %shift_right_arithmetic3A_348 : i32 to vector<16xi32>
        %shift_right_arithmetic3A_350 = arith.shrsi %bitcast3A_347, %shift_right_arithmetic3A_349 : vector<16xi32>
        %sub3A_351 = arith.constant 1597463007 : i32
        %sub3A_352 = vector.broadcast %sub3A_351 : i32 to vector<16xi32>
        %sub3A_353 = arith.subi %sub3A_352, %shift_right_arithmetic3A_350 : vector<16xi32>
        %bitcast3A_354 = vector.bitcast %sub3A_353 : vector<16xi32> to vector<16xf32>
        %mul3A_355 = arith.constant 5.000000e-01 : f32
        %mul3A_356 = vector.broadcast %mul3A_355 : f32 to vector<16xf32>
        %mul3A_357 = arith.mulf %add3A_346, %mul3A_356 : vector<16xf32>
        %mul3A_358 = arith.mulf %mul3A_357, %bitcast3A_354 : vector<16xf32>
        %mul3A_359 = arith.mulf %mul3A_358, %bitcast3A_354 : vector<16xf32>
        %sub3A_360 = arith.constant 1.500000e+00 : f32
        %sub3A_361 = vector.broadcast %sub3A_360 : f32 to vector<16xf32>
        %sub3A_362 = arith.subf %sub3A_361, %mul3A_359 : vector<16xf32>
        %mul3A_363 = arith.mulf %bitcast3A_354, %sub3A_362 : vector<16xf32>
        %mul3A_364 = arith.mulf %mul3A_357, %mul3A_363 : vector<16xf32>
        %mul3A_365 = arith.mulf %mul3A_364, %mul3A_363 : vector<16xf32>
        %sub3A_366 = arith.constant 1.500000e+00 : f32
        %sub3A_367 = vector.broadcast %sub3A_366 : f32 to vector<16xf32>
        %sub3A_368 = arith.subf %sub3A_367, %mul3A_365 : vector<16xf32>
        %mul3A_369 = arith.mulf %mul3A_363, %sub3A_368 : vector<16xf32>
        %mul3A_370 = arith.mulf %add3A_346, %mul3A_369 : vector<16xf32>
        %mul3A_371 = arith.mulf %sub3A_335, %sub3A_335 : vector<16xf32>
        %mul3A_372 = arith.mulf %sub3A_343, %sub3A_343 : vector<16xf32>
        %add3A_373 = arith.addf %mul3A_371, %mul3A_372 : vector<16xf32>
        %bitcast3A_374 = vector.bitcast %add3A_373 : vector<16xf32> to vector<16xi32>
        %shift_right_arithmetic3A_375 = arith.constant 1 : i32
        %shift_right_arithmetic3A_376 = vector.broadcast %shift_right_arithmetic3A_375 : i32 to vector<16xi32>
        %shift_right_arithmetic3A_377 = arith.shrsi %bitcast3A_374, %shift_right_arithmetic3A_376 : vector<16xi32>
        %sub3A_378 = arith.constant 1597463007 : i32
        %sub3A_379 = vector.broadcast %sub3A_378 : i32 to vector<16xi32>
        %sub3A_380 = arith.subi %sub3A_379, %shift_right_arithmetic3A_377 : vector<16xi32>
        %bitcast3A_381 = vector.bitcast %sub3A_380 : vector<16xi32> to vector<16xf32>
        %mul3A_382 = arith.constant 5.000000e-01 : f32
        %mul3A_383 = vector.broadcast %mul3A_382 : f32 to vector<16xf32>
        %mul3A_384 = arith.mulf %add3A_373, %mul3A_383 : vector<16xf32>
        %mul3A_385 = arith.mulf %mul3A_384, %bitcast3A_381 : vector<16xf32>
        %mul3A_386 = arith.mulf %mul3A_385, %bitcast3A_381 : vector<16xf32>
        %sub3A_387 = arith.constant 1.500000e+00 : f32
        %sub3A_388 = vector.broadcast %sub3A_387 : f32 to vector<16xf32>
        %sub3A_389 = arith.subf %sub3A_388, %mul3A_386 : vector<16xf32>
        %mul3A_390 = arith.mulf %bitcast3A_381, %sub3A_389 : vector<16xf32>
        %mul3A_391 = arith.mulf %mul3A_384, %mul3A_390 : vector<16xf32>
        %mul3A_392 = arith.mulf %mul3A_391, %mul3A_390 : vector<16xf32>
        %sub3A_393 = arith.constant 1.500000e+00 : f32
        %sub3A_394 = vector.broadcast %sub3A_393 : f32 to vector<16xf32>
        %sub3A_395 = arith.subf %sub3A_394, %mul3A_392 : vector<16xf32>
        %mul3A_396 = arith.mulf %mul3A_390, %sub3A_395 : vector<16xf32>
        %mul3A_397 = arith.mulf %add3A_373, %mul3A_396 : vector<16xf32>
        %add3A_398 = arith.addf %mul3A_370, %mul3A_397 : vector<16xf32>
        %broadcast_in_dim3A_399 = arith.constant true
        %broadcast_in_dim3A_400 = vector.broadcast %broadcast_in_dim3A_399 : i1 to vector<16xi1>
        %masked_cumsum3A_401 = tpu.scan <sum>, %add3A_398 masked %broadcast_in_dim3A_400 : vector<16xf32>, vector<16xi1> -> vector<16xf32>
        %rev3A_402 = arith.constant 15 : i32
        %rev3A_403 = vector.broadcast %rev3A_402 : i32 to vector<16xi32>
        %rev3A_404 = tpu.iota {dimensions = array<i32: 0>} : vector<16xi32>
        %rev3A_405 = arith.subi %rev3A_403, %rev3A_404 : vector<16xi32>
        %rev3A_406 = tpu.dynamic_gather %masked_cumsum3A_401[%rev3A_405] in [0] : vector<16xf32>, vector<16xi32> -> vector<16xf32>
        %sub3A_407 = arith.constant 9.000000e+00 : f32
        %sub3A_408 = vector.broadcast %sub3A_407 : f32 to vector<16xf32>
        %sub3A_409 = arith.subf %sub3A_408, %rev3A_406 : vector<16xf32>
        %broadcast_in_dim3A_410 = vector.broadcast %add3A_303 : i32 to vector<16xi32>
        %broadcast_in_dim3A_411 = vector.broadcast %select_n3A_305 : i32 to vector<16xi32>
        tpu.vector_store_idx %arg17[%broadcast_in_dim3A_410, %broadcast_in_dim3A_411], %sub3A_409 masked %eq3A_4 : memref<128x208xf32, #tpu.memory_space<vmem>>[vector<16xi32>, vector<16xi32>], vector<16xf32>, vector<16xi1>
        %add3A_412 = arith.constant 1 : i32
        %add3A_413 = arith.addi %select_n3A_305, %add3A_412 : i32
        %eq3A_414 = arith.constant 208 : i32
        %eq3A_415 = arith.cmpi eq, %add3A_413, %eq3A_414 : i32
        %convert_element_type3A_416 = arith.extui %eq3A_415 : i1 to i32
        %add3A_417 = arith.addi %add3A_303, %convert_element_type3A_416 : i32
        %jit3A_418 = arith.constant 0 : i32
        %select_n3A_419 = arith.select %eq3A_415, %jit3A_418, %add3A_413 : i32
        %scan3A_420 = arith.constant 3 : i32
        %scan3A_421 = arith.addi %scan3A_83, %scan3A_420 : i32
        %get3A_422 = arith.constant 0 : i32
        %get3A_423 = arith.index_cast %get3A_422 : i32 to index
        %get3A_424 = arith.index_cast %scan3A_421 : i32 to index
        %get3A_425 = arith.constant 0 : index
        %get3A_426 = tpu.vector_load %arg16[%get3A_423, %get3A_424, %get3A_425] {strides = array<i32>} : memref<1x128x64xf32, #tpu.memory_space<vmem>>, vector<16xf32>,
        %get3A_427 = arith.constant 0 : i32
        %get3A_428 = arith.index_cast %get3A_427 : i32 to index
        %get3A_429 = arith.index_cast %scan3A_421 : i32 to index
        %get3A_430 = arith.constant 16 : index
        %get3A_431 = tpu.vector_load %arg16[%get3A_428, %get3A_429, %get3A_430] {strides = array<i32>} : memref<1x128x64xf32, #tpu.memory_space<vmem>>, vector<16xf32>,
        %get3A_432 = arith.constant 0 : i32
        %get3A_433 = arith.index_cast %get3A_432 : i32 to index
        %get3A_434 = arith.index_cast %scan3A_421 : i32 to index
        %get3A_435 = arith.constant 32 : index
        %get3A_436 = tpu.vector_load %arg16[%get3A_433, %get3A_434, %get3A_435] {strides = array<i32>} : memref<1x128x64xf32, #tpu.memory_space<vmem>>, vector<16xf32>,
        %get3A_437 = arith.constant 0 : i32
        %get3A_438 = arith.index_cast %get3A_437 : i32 to index
        %get3A_439 = arith.index_cast %scan3A_421 : i32 to index
        %get3A_440 = arith.constant 48 : index
        %get3A_441 = tpu.vector_load %arg16[%get3A_438, %get3A_439, %get3A_440] {strides = array<i32>} : memref<1x128x64xf32, #tpu.memory_space<vmem>>, vector<16xf32>,
        %get3A_442 = arith.index_cast %add3A_417 : i32 to index
        %get3A_443 = arith.constant 0 : index
        %get3A_444 = tpu.vector_load %arg12[%get3A_442, %get3A_443] {strides = array<i32>} : memref<128x64xf32, #tpu.memory_space<vmem>>, vector<16xf32>,
        %sub3A_445 = arith.subf %get3A_444, %get3A_426 : vector<16xf32>
        %get3A_446 = arith.index_cast %add3A_417 : i32 to index
        %get3A_447 = arith.constant 16 : index
        %get3A_448 = tpu.vector_load %arg12[%get3A_446, %get3A_447] {strides = array<i32>} : memref<128x64xf32, #tpu.memory_space<vmem>>, vector<16xf32>,
        %sub3A_449 = arith.subf %get3A_448, %get3A_431 : vector<16xf32>
        %get3A_450 = arith.index_cast %add3A_417 : i32 to index
        %get3A_451 = arith.constant 32 : index
        %get3A_452 = tpu.vector_load %arg12[%get3A_450, %get3A_451] {strides = array<i32>} : memref<128x64xf32, #tpu.memory_space<vmem>>, vector<16xf32>,
        %sub3A_453 = arith.subf %get3A_452, %get3A_436 : vector<16xf32>
        %get3A_454 = arith.index_cast %add3A_417 : i32 to index
        %get3A_455 = arith.constant 48 : index
        %get3A_456 = tpu.vector_load %arg12[%get3A_454, %get3A_455] {strides = array<i32>} : memref<128x64xf32, #tpu.memory_space<vmem>>, vector<16xf32>,
        %sub3A_457 = arith.subf %get3A_456, %get3A_441 : vector<16xf32>
        %mul3A_458 = arith.mulf %sub3A_445, %sub3A_445 : vector<16xf32>
        %mul3A_459 = arith.mulf %sub3A_453, %sub3A_453 : vector<16xf32>
        %add3A_460 = arith.addf %mul3A_458, %mul3A_459 : vector<16xf32>
        %bitcast3A_461 = vector.bitcast %add3A_460 : vector<16xf32> to vector<16xi32>
        %shift_right_arithmetic3A_462 = arith.constant 1 : i32
        %shift_right_arithmetic3A_463 = vector.broadcast %shift_right_arithmetic3A_462 : i32 to vector<16xi32>
        %shift_right_arithmetic3A_464 = arith.shrsi %bitcast3A_461, %shift_right_arithmetic3A_463 : vector<16xi32>
        %sub3A_465 = arith.constant 1597463007 : i32
        %sub3A_466 = vector.broadcast %sub3A_465 : i32 to vector<16xi32>
        %sub3A_467 = arith.subi %sub3A_466, %shift_right_arithmetic3A_464 : vector<16xi32>
        %bitcast3A_468 = vector.bitcast %sub3A_467 : vector<16xi32> to vector<16xf32>
        %mul3A_469 = arith.constant 5.000000e-01 : f32
        %mul3A_470 = vector.broadcast %mul3A_469 : f32 to vector<16xf32>
        %mul3A_471 = arith.mulf %add3A_460, %mul3A_470 : vector<16xf32>
        %mul3A_472 = arith.mulf %mul3A_471, %bitcast3A_468 : vector<16xf32>
        %mul3A_473 = arith.mulf %mul3A_472, %bitcast3A_468 : vector<16xf32>
        %sub3A_474 = arith.constant 1.500000e+00 : f32
        %sub3A_475 = vector.broadcast %sub3A_474 : f32 to vector<16xf32>
        %sub3A_476 = arith.subf %sub3A_475, %mul3A_473 : vector<16xf32>
        %mul3A_477 = arith.mulf %bitcast3A_468, %sub3A_476 : vector<16xf32>
        %mul3A_478 = arith.mulf %mul3A_471, %mul3A_477 : vector<16xf32>
        %mul3A_479 = arith.mulf %mul3A_478, %mul3A_477 : vector<16xf32>
        %sub3A_480 = arith.constant 1.500000e+00 : f32
        %sub3A_481 = vector.broadcast %sub3A_480 : f32 to vector<16xf32>
        %sub3A_482 = arith.subf %sub3A_481, %mul3A_479 : vector<16xf32>
        %mul3A_483 = arith.mulf %mul3A_477, %sub3A_482 : vector<16xf32>
        %mul3A_484 = arith.mulf %add3A_460, %mul3A_483 : vector<16xf32>
        %mul3A_485 = arith.mulf %sub3A_449, %sub3A_449 : vector<16xf32>
        %mul3A_486 = arith.mulf %sub3A_457, %sub3A_457 : vector<16xf32>
        %add3A_487 = arith.addf %mul3A_485, %mul3A_486 : vector<16xf32>
        %bitcast3A_488 = vector.bitcast %add3A_487 : vector<16xf32> to vector<16xi32>
        %shift_right_arithmetic3A_489 = arith.constant 1 : i32
        %shift_right_arithmetic3A_490 = vector.broadcast %shift_right_arithmetic3A_489 : i32 to vector<16xi32>
        %shift_right_arithmetic3A_491 = arith.shrsi %bitcast3A_488, %shift_right_arithmetic3A_490 : vector<16xi32>
        %sub3A_492 = arith.constant 1597463007 : i32
        %sub3A_493 = vector.broadcast %sub3A_492 : i32 to vector<16xi32>
        %sub3A_494 = arith.subi %sub3A_493, %shift_right_arithmetic3A_491 : vector<16xi32>
        %bitcast3A_495 = vector.bitcast %sub3A_494 : vector<16xi32> to vector<16xf32>
        %mul3A_496 = arith.constant 5.000000e-01 : f32
        %mul3A_497 = vector.broadcast %mul3A_496 : f32 to vector<16xf32>
        %mul3A_498 = arith.mulf %add3A_487, %mul3A_497 : vector<16xf32>
        %mul3A_499 = arith.mulf %mul3A_498, %bitcast3A_495 : vector<16xf32>
        %mul3A_500 = arith.mulf %mul3A_499, %bitcast3A_495 : vector<16xf32>
        %sub3A_501 = arith.constant 1.500000e+00 : f32
        %sub3A_502 = vector.broadcast %sub3A_501 : f32 to vector<16xf32>
        %sub3A_503 = arith.subf %sub3A_502, %mul3A_500 : vector<16xf32>
        %mul3A_504 = arith.mulf %bitcast3A_495, %sub3A_503 : vector<16xf32>
        %mul3A_505 = arith.mulf %mul3A_498, %mul3A_504 : vector<16xf32>
        %mul3A_506 = arith.mulf %mul3A_505, %mul3A_504 : vector<16xf32>
        %sub3A_507 = arith.constant 1.500000e+00 : f32
        %sub3A_508 = vector.broadcast %sub3A_507 : f32 to vector<16xf32>
        %sub3A_509 = arith.subf %sub3A_508, %mul3A_506 : vector<16xf32>
        %mul3A_510 = arith.mulf %mul3A_504, %sub3A_509 : vector<16xf32>
        %mul3A_511 = arith.mulf %add3A_487, %mul3A_510 : vector<16xf32>
        %add3A_512 = arith.addf %mul3A_484, %mul3A_511 : vector<16xf32>
        %broadcast_in_dim3A_513 = arith.constant true
        %broadcast_in_dim3A_514 = vector.broadcast %broadcast_in_dim3A_513 : i1 to vector<16xi1>
        %masked_cumsum3A_515 = tpu.scan <sum>, %add3A_512 masked %broadcast_in_dim3A_514 : vector<16xf32>, vector<16xi1> -> vector<16xf32>
        %rev3A_516 = arith.constant 15 : i32
        %rev3A_517 = vector.broadcast %rev3A_516 : i32 to vector<16xi32>
        %rev3A_518 = tpu.iota {dimensions = array<i32: 0>} : vector<16xi32>
        %rev3A_519 = arith.subi %rev3A_517, %rev3A_518 : vector<16xi32>
        %rev3A_520 = tpu.dynamic_gather %masked_cumsum3A_515[%rev3A_519] in [0] : vector<16xf32>, vector<16xi32> -> vector<16xf32>
        %sub3A_521 = arith.constant 9.000000e+00 : f32
        %sub3A_522 = vector.broadcast %sub3A_521 : f32 to vector<16xf32>
        %sub3A_523 = arith.subf %sub3A_522, %rev3A_520 : vector<16xf32>
        %broadcast_in_dim3A_524 = vector.broadcast %add3A_417 : i32 to vector<16xi32>
        %broadcast_in_dim3A_525 = vector.broadcast %select_n3A_419 : i32 to vector<16xi32>
        tpu.vector_store_idx %arg17[%broadcast_in_dim3A_524, %broadcast_in_dim3A_525], %sub3A_523 masked %eq3A_4 : memref<128x208xf32, #tpu.memory_space<vmem>>[vector<16xi32>, vector<16xi32>], vector<16xf32>, vector<16xi1>
        %add3A_526 = arith.constant 1 : i32
        %add3A_527 = arith.addi %select_n3A_419, %add3A_526 : i32
        %eq3A_528 = arith.constant 208 : i32
        %eq3A_529 = arith.cmpi eq, %add3A_527, %eq3A_528 : i32
        %convert_element_type3A_530 = arith.extui %eq3A_529 : i1 to i32
        %add3A_531 = arith.addi %add3A_417, %convert_element_type3A_530 : i32
        %jit3A_532 = arith.constant 0 : i32
        %select_n3A_533 = arith.select %eq3A_529, %jit3A_532, %add3A_527 : i32
        %scan3A_534 = arith.constant 4 : i32
        %scan3A_535 = arith.addi %scan3A_83, %scan3A_534 : i32
        %get3A_536 = arith.constant 0 : i32
        %get3A_537 = arith.index_cast %get3A_536 : i32 to index
        %get3A_538 = arith.index_cast %scan3A_535 : i32 to index
        %get3A_539 = arith.constant 0 : index
        %get3A_540 = tpu.vector_load %arg16[%get3A_537, %get3A_538, %get3A_539] {strides = array<i32>} : memref<1x128x64xf32, #tpu.memory_space<vmem>>, vector<16xf32>,
        %get3A_541 = arith.constant 0 : i32
        %get3A_542 = arith.index_cast %get3A_541 : i32 to index
        %get3A_543 = arith.index_cast %scan3A_535 : i32 to index
        %get3A_544 = arith.constant 16 : index
        %get3A_545 = tpu.vector_load %arg16[%get3A_542, %get3A_543, %get3A_544] {strides = array<i32>} : memref<1x128x64xf32, #tpu.memory_space<vmem>>, vector<16xf32>,
        %get3A_546 = arith.constant 0 : i32
        %get3A_547 = arith.index_cast %get3A_546 : i32 to index
        %get3A_548 = arith.index_cast %scan3A_535 : i32 to index
        %get3A_549 = arith.constant 32 : index
        %get3A_550 = tpu.vector_load %arg16[%get3A_547, %get3A_548, %get3A_549] {strides = array<i32>} : memref<1x128x64xf32, #tpu.memory_space<vmem>>, vector<16xf32>,
        %get3A_551 = arith.constant 0 : i32
        %get3A_552 = arith.index_cast %get3A_551 : i32 to index
        %get3A_553 = arith.index_cast %scan3A_535 : i32 to index
        %get3A_554 = arith.constant 48 : index
        %get3A_555 = tpu.vector_load %arg16[%get3A_552, %get3A_553, %get3A_554] {strides = array<i32>} : memref<1x128x64xf32, #tpu.memory_space<vmem>>, vector<16xf32>,
        %get3A_556 = arith.index_cast %add3A_531 : i32 to index
        %get3A_557 = arith.constant 0 : index
        %get3A_558 = tpu.vector_load %arg12[%get3A_556, %get3A_557] {strides = array<i32>} : memref<128x64xf32, #tpu.memory_space<vmem>>, vector<16xf32>,
        %sub3A_559 = arith.subf %get3A_558, %get3A_540 : vector<16xf32>
        %get3A_560 = arith.index_cast %add3A_531 : i32 to index
        %get3A_561 = arith.constant 16 : index
        %get3A_562 = tpu.vector_load %arg12[%get3A_560, %get3A_561] {strides = array<i32>} : memref<128x64xf32, #tpu.memory_space<vmem>>, vector<16xf32>,
        %sub3A_563 = arith.subf %get3A_562, %get3A_545 : vector<16xf32>
        %get3A_564 = arith.index_cast %add3A_531 : i32 to index
        %get3A_565 = arith.constant 32 : index
        %get3A_566 = tpu.vector_load %arg12[%get3A_564, %get3A_565] {strides = array<i32>} : memref<128x64xf32, #tpu.memory_space<vmem>>, vector<16xf32>,
        %sub3A_567 = arith.subf %get3A_566, %get3A_550 : vector<16xf32>
        %get3A_568 = arith.index_cast %add3A_531 : i32 to index
        %get3A_569 = arith.constant 48 : index
        %get3A_570 = tpu.vector_load %arg12[%get3A_568, %get3A_569] {strides = array<i32>} : memref<128x64xf32, #tpu.memory_space<vmem>>, vector<16xf32>,
        %sub3A_571 = arith.subf %get3A_570, %get3A_555 : vector<16xf32>
        %mul3A_572 = arith.mulf %sub3A_559, %sub3A_559 : vector<16xf32>
        %mul3A_573 = arith.mulf %sub3A_567, %sub3A_567 : vector<16xf32>
        %add3A_574 = arith.addf %mul3A_572, %mul3A_573 : vector<16xf32>
        %bitcast3A_575 = vector.bitcast %add3A_574 : vector<16xf32> to vector<16xi32>
        %shift_right_arithmetic3A_576 = arith.constant 1 : i32
        %shift_right_arithmetic3A_577 = vector.broadcast %shift_right_arithmetic3A_576 : i32 to vector<16xi32>
        %shift_right_arithmetic3A_578 = arith.shrsi %bitcast3A_575, %shift_right_arithmetic3A_577 : vector<16xi32>
        %sub3A_579 = arith.constant 1597463007 : i32
        %sub3A_580 = vector.broadcast %sub3A_579 : i32 to vector<16xi32>
        %sub3A_581 = arith.subi %sub3A_580, %shift_right_arithmetic3A_578 : vector<16xi32>
        %bitcast3A_582 = vector.bitcast %sub3A_581 : vector<16xi32> to vector<16xf32>
        %mul3A_583 = arith.constant 5.000000e-01 : f32
        %mul3A_584 = vector.broadcast %mul3A_583 : f32 to vector<16xf32>
        %mul3A_585 = arith.mulf %add3A_574, %mul3A_584 : vector<16xf32>
        %mul3A_586 = arith.mulf %mul3A_585, %bitcast3A_582 : vector<16xf32>
        %mul3A_587 = arith.mulf %mul3A_586, %bitcast3A_582 : vector<16xf32>
        %sub3A_588 = arith.constant 1.500000e+00 : f32
        %sub3A_589 = vector.broadcast %sub3A_588 : f32 to vector<16xf32>
        %sub3A_590 = arith.subf %sub3A_589, %mul3A_587 : vector<16xf32>
        %mul3A_591 = arith.mulf %bitcast3A_582, %sub3A_590 : vector<16xf32>
        %mul3A_592 = arith.mulf %mul3A_585, %mul3A_591 : vector<16xf32>
        %mul3A_593 = arith.mulf %mul3A_592, %mul3A_591 : vector<16xf32>
        %sub3A_594 = arith.constant 1.500000e+00 : f32
        %sub3A_595 = vector.broadcast %sub3A_594 : f32 to vector<16xf32>
        %sub3A_596 = arith.subf %sub3A_595, %mul3A_593 : vector<16xf32>
        %mul3A_597 = arith.mulf %mul3A_591, %sub3A_596 : vector<16xf32>
        %mul3A_598 = arith.mulf %add3A_574, %mul3A_597 : vector<16xf32>
        %mul3A_599 = arith.mulf %sub3A_563, %sub3A_563 : vector<16xf32>
        %mul3A_600 = arith.mulf %sub3A_571, %sub3A_571 : vector<16xf32>
        %add3A_601 = arith.addf %mul3A_599, %mul3A_600 : vector<16xf32>
        %bitcast3A_602 = vector.bitcast %add3A_601 : vector<16xf32> to vector<16xi32>
        %shift_right_arithmetic3A_603 = arith.constant 1 : i32
        %shift_right_arithmetic3A_604 = vector.broadcast %shift_right_arithmetic3A_603 : i32 to vector<16xi32>
        %shift_right_arithmetic3A_605 = arith.shrsi %bitcast3A_602, %shift_right_arithmetic3A_604 : vector<16xi32>
        %sub3A_606 = arith.constant 1597463007 : i32
        %sub3A_607 = vector.broadcast %sub3A_606 : i32 to vector<16xi32>
        %sub3A_608 = arith.subi %sub3A_607, %shift_right_arithmetic3A_605 : vector<16xi32>
        %bitcast3A_609 = vector.bitcast %sub3A_608 : vector<16xi32> to vector<16xf32>
        %mul3A_610 = arith.constant 5.000000e-01 : f32
        %mul3A_611 = vector.broadcast %mul3A_610 : f32 to vector<16xf32>
        %mul3A_612 = arith.mulf %add3A_601, %mul3A_611 : vector<16xf32>
        %mul3A_613 = arith.mulf %mul3A_612, %bitcast3A_609 : vector<16xf32>
        %mul3A_614 = arith.mulf %mul3A_613, %bitcast3A_609 : vector<16xf32>
        %sub3A_615 = arith.constant 1.500000e+00 : f32
        %sub3A_616 = vector.broadcast %sub3A_615 : f32 to vector<16xf32>
        %sub3A_617 = arith.subf %sub3A_616, %mul3A_614 : vector<16xf32>
        %mul3A_618 = arith.mulf %bitcast3A_609, %sub3A_617 : vector<16xf32>
        %mul3A_619 = arith.mulf %mul3A_612, %mul3A_618 : vector<16xf32>
        %mul3A_620 = arith.mulf %mul3A_619, %mul3A_618 : vector<16xf32>
        %sub3A_621 = arith.constant 1.500000e+00 : f32
        %sub3A_622 = vector.broadcast %sub3A_621 : f32 to vector<16xf32>
        %sub3A_623 = arith.subf %sub3A_622, %mul3A_620 : vector<16xf32>
        %mul3A_624 = arith.mulf %mul3A_618, %sub3A_623 : vector<16xf32>
        %mul3A_625 = arith.mulf %add3A_601, %mul3A_624 : vector<16xf32>
        %add3A_626 = arith.addf %mul3A_598, %mul3A_625 : vector<16xf32>
        %broadcast_in_dim3A_627 = arith.constant true
        %broadcast_in_dim3A_628 = vector.broadcast %broadcast_in_dim3A_627 : i1 to vector<16xi1>
        %masked_cumsum3A_629 = tpu.scan <sum>, %add3A_626 masked %broadcast_in_dim3A_628 : vector<16xf32>, vector<16xi1> -> vector<16xf32>
        %rev3A_630 = arith.constant 15 : i32
        %rev3A_631 = vector.broadcast %rev3A_630 : i32 to vector<16xi32>
        %rev3A_632 = tpu.iota {dimensions = array<i32: 0>} : vector<16xi32>
        %rev3A_633 = arith.subi %rev3A_631, %rev3A_632 : vector<16xi32>
        %rev3A_634 = tpu.dynamic_gather %masked_cumsum3A_629[%rev3A_633] in [0] : vector<16xf32>, vector<16xi32> -> vector<16xf32>
        %sub3A_635 = arith.constant 9.000000e+00 : f32
        %sub3A_636 = vector.broadcast %sub3A_635 : f32 to vector<16xf32>
        %sub3A_637 = arith.subf %sub3A_636, %rev3A_634 : vector<16xf32>
        %broadcast_in_dim3A_638 = vector.broadcast %add3A_531 : i32 to vector<16xi32>
        %broadcast_in_dim3A_639 = vector.broadcast %select_n3A_533 : i32 to vector<16xi32>
        tpu.vector_store_idx %arg17[%broadcast_in_dim3A_638, %broadcast_in_dim3A_639], %sub3A_637 masked %eq3A_4 : memref<128x208xf32, #tpu.memory_space<vmem>>[vector<16xi32>, vector<16xi32>], vector<16xf32>, vector<16xi1>
        %add3A_640 = arith.constant 1 : i32
        %add3A_641 = arith.addi %select_n3A_533, %add3A_640 : i32
        %eq3A_642 = arith.constant 208 : i32
        %eq3A_643 = arith.cmpi eq, %add3A_641, %eq3A_642 : i32
        %convert_element_type3A_644 = arith.extui %eq3A_643 : i1 to i32
        %add3A_645 = arith.addi %add3A_531, %convert_element_type3A_644 : i32
        %jit3A_646 = arith.constant 0 : i32
        %select_n3A_647 = arith.select %eq3A_643, %jit3A_646, %add3A_641 : i32
        %scan3A_648 = arith.constant 5 : i32
        %scan3A_649 = arith.addi %scan3A_83, %scan3A_648 : i32
        %get3A_650 = arith.constant 0 : i32
        %get3A_651 = arith.index_cast %get3A_650 : i32 to index
        %get3A_652 = arith.index_cast %scan3A_649 : i32 to index
        %get3A_653 = arith.constant 0 : index
        %get3A_654 = tpu.vector_load %arg16[%get3A_651, %get3A_652, %get3A_653] {strides = array<i32>} : memref<1x128x64xf32, #tpu.memory_space<vmem>>, vector<16xf32>,
        %get3A_655 = arith.constant 0 : i32
        %get3A_656 = arith.index_cast %get3A_655 : i32 to index
        %get3A_657 = arith.index_cast %scan3A_649 : i32 to index
        %get3A_658 = arith.constant 16 : index
        %get3A_659 = tpu.vector_load %arg16[%get3A_656, %get3A_657, %get3A_658] {strides = array<i32>} : memref<1x128x64xf32, #tpu.memory_space<vmem>>, vector<16xf32>,
        %get3A_660 = arith.constant 0 : i32
        %get3A_661 = arith.index_cast %get3A_660 : i32 to index
        %get3A_662 = arith.index_cast %scan3A_649 : i32 to index
        %get3A_663 = arith.constant 32 : index
        %get3A_664 = tpu.vector_load %arg16[%get3A_661, %get3A_662, %get3A_663] {strides = array<i32>} : memref<1x128x64xf32, #tpu.memory_space<vmem>>, vector<16xf32>,
        %get3A_665 = arith.constant 0 : i32
        %get3A_666 = arith.index_cast %get3A_665 : i32 to index
        %get3A_667 = arith.index_cast %scan3A_649 : i32 to index
        %get3A_668 = arith.constant 48 : index
        %get3A_669 = tpu.vector_load %arg16[%get3A_666, %get3A_667, %get3A_668] {strides = array<i32>} : memref<1x128x64xf32, #tpu.memory_space<vmem>>, vector<16xf32>,
        %get3A_670 = arith.index_cast %add3A_645 : i32 to index
        %get3A_671 = arith.constant 0 : index
        %get3A_672 = tpu.vector_load %arg12[%get3A_670, %get3A_671] {strides = array<i32>} : memref<128x64xf32, #tpu.memory_space<vmem>>, vector<16xf32>,
        %sub3A_673 = arith.subf %get3A_672, %get3A_654 : vector<16xf32>
        %get3A_674 = arith.index_cast %add3A_645 : i32 to index
        %get3A_675 = arith.constant 16 : index
        %get3A_676 = tpu.vector_load %arg12[%get3A_674, %get3A_675] {strides = array<i32>} : memref<128x64xf32, #tpu.memory_space<vmem>>, vector<16xf32>,
        %sub3A_677 = arith.subf %get3A_676, %get3A_659 : vector<16xf32>
        %get3A_678 = arith.index_cast %add3A_645 : i32 to index
        %get3A_679 = arith.constant 32 : index
        %get3A_680 = tpu.vector_load %arg12[%get3A_678, %get3A_679] {strides = array<i32>} : memref<128x64xf32, #tpu.memory_space<vmem>>, vector<16xf32>,
        %sub3A_681 = arith.subf %get3A_680, %get3A_664 : vector<16xf32>
        %get3A_682 = arith.index_cast %add3A_645 : i32 to index
        %get3A_683 = arith.constant 48 : index
        %get3A_684 = tpu.vector_load %arg12[%get3A_682, %get3A_683] {strides = array<i32>} : memref<128x64xf32, #tpu.memory_space<vmem>>, vector<16xf32>,
        %sub3A_685 = arith.subf %get3A_684, %get3A_669 : vector<16xf32>
        %mul3A_686 = arith.mulf %sub3A_673, %sub3A_673 : vector<16xf32>
        %mul3A_687 = arith.mulf %sub3A_681, %sub3A_681 : vector<16xf32>
        %add3A_688 = arith.addf %mul3A_686, %mul3A_687 : vector<16xf32>
        %bitcast3A_689 = vector.bitcast %add3A_688 : vector<16xf32> to vector<16xi32>
        %shift_right_arithmetic3A_690 = arith.constant 1 : i32
        %shift_right_arithmetic3A_691 = vector.broadcast %shift_right_arithmetic3A_690 : i32 to vector<16xi32>
        %shift_right_arithmetic3A_692 = arith.shrsi %bitcast3A_689, %shift_right_arithmetic3A_691 : vector<16xi32>
        %sub3A_693 = arith.constant 1597463007 : i32
        %sub3A_694 = vector.broadcast %sub3A_693 : i32 to vector<16xi32>
        %sub3A_695 = arith.subi %sub3A_694, %shift_right_arithmetic3A_692 : vector<16xi32>
        %bitcast3A_696 = vector.bitcast %sub3A_695 : vector<16xi32> to vector<16xf32>
        %mul3A_697 = arith.constant 5.000000e-01 : f32
        %mul3A_698 = vector.broadcast %mul3A_697 : f32 to vector<16xf32>
        %mul3A_699 = arith.mulf %add3A_688, %mul3A_698 : vector<16xf32>
        %mul3A_700 = arith.mulf %mul3A_699, %bitcast3A_696 : vector<16xf32>
        %mul3A_701 = arith.mulf %mul3A_700, %bitcast3A_696 : vector<16xf32>
        %sub3A_702 = arith.constant 1.500000e+00 : f32
        %sub3A_703 = vector.broadcast %sub3A_702 : f32 to vector<16xf32>
        %sub3A_704 = arith.subf %sub3A_703, %mul3A_701 : vector<16xf32>
        %mul3A_705 = arith.mulf %bitcast3A_696, %sub3A_704 : vector<16xf32>
        %mul3A_706 = arith.mulf %mul3A_699, %mul3A_705 : vector<16xf32>
        %mul3A_707 = arith.mulf %mul3A_706, %mul3A_705 : vector<16xf32>
        %sub3A_708 = arith.constant 1.500000e+00 : f32
        %sub3A_709 = vector.broadcast %sub3A_708 : f32 to vector<16xf32>
        %sub3A_710 = arith.subf %sub3A_709, %mul3A_707 : vector<16xf32>
        %mul3A_711 = arith.mulf %mul3A_705, %sub3A_710 : vector<16xf32>
        %mul3A_712 = arith.mulf %add3A_688, %mul3A_711 : vector<16xf32>
        %mul3A_713 = arith.mulf %sub3A_677, %sub3A_677 : vector<16xf32>
        %mul3A_714 = arith.mulf %sub3A_685, %sub3A_685 : vector<16xf32>
        %add3A_715 = arith.addf %mul3A_713, %mul3A_714 : vector<16xf32>
        %bitcast3A_716 = vector.bitcast %add3A_715 : vector<16xf32> to vector<16xi32>
        %shift_right_arithmetic3A_717 = arith.constant 1 : i32
        %shift_right_arithmetic3A_718 = vector.broadcast %shift_right_arithmetic3A_717 : i32 to vector<16xi32>
        %shift_right_arithmetic3A_719 = arith.shrsi %bitcast3A_716, %shift_right_arithmetic3A_718 : vector<16xi32>
        %sub3A_720 = arith.constant 1597463007 : i32
        %sub3A_721 = vector.broadcast %sub3A_720 : i32 to vector<16xi32>
        %sub3A_722 = arith.subi %sub3A_721, %shift_right_arithmetic3A_719 : vector<16xi32>
        %bitcast3A_723 = vector.bitcast %sub3A_722 : vector<16xi32> to vector<16xf32>
        %mul3A_724 = arith.constant 5.000000e-01 : f32
        %mul3A_725 = vector.broadcast %mul3A_724 : f32 to vector<16xf32>
        %mul3A_726 = arith.mulf %add3A_715, %mul3A_725 : vector<16xf32>
        %mul3A_727 = arith.mulf %mul3A_726, %bitcast3A_723 : vector<16xf32>
        %mul3A_728 = arith.mulf %mul3A_727, %bitcast3A_723 : vector<16xf32>
        %sub3A_729 = arith.constant 1.500000e+00 : f32
        %sub3A_730 = vector.broadcast %sub3A_729 : f32 to vector<16xf32>
        %sub3A_731 = arith.subf %sub3A_730, %mul3A_728 : vector<16xf32>
        %mul3A_732 = arith.mulf %bitcast3A_723, %sub3A_731 : vector<16xf32>
        %mul3A_733 = arith.mulf %mul3A_726, %mul3A_732 : vector<16xf32>
        %mul3A_734 = arith.mulf %mul3A_733, %mul3A_732 : vector<16xf32>
        %sub3A_735 = arith.constant 1.500000e+00 : f32
        %sub3A_736 = vector.broadcast %sub3A_735 : f32 to vector<16xf32>
        %sub3A_737 = arith.subf %sub3A_736, %mul3A_734 : vector<16xf32>
        %mul3A_738 = arith.mulf %mul3A_732, %sub3A_737 : vector<16xf32>
        %mul3A_739 = arith.mulf %add3A_715, %mul3A_738 : vector<16xf32>
        %add3A_740 = arith.addf %mul3A_712, %mul3A_739 : vector<16xf32>
        %broadcast_in_dim3A_741 = arith.constant true
        %broadcast_in_dim3A_742 = vector.broadcast %broadcast_in_dim3A_741 : i1 to vector<16xi1>
        %masked_cumsum3A_743 = tpu.scan <sum>, %add3A_740 masked %broadcast_in_dim3A_742 : vector<16xf32>, vector<16xi1> -> vector<16xf32>
        %rev3A_744 = arith.constant 15 : i32
        %rev3A_745 = vector.broadcast %rev3A_744 : i32 to vector<16xi32>
        %rev3A_746 = tpu.iota {dimensions = array<i32: 0>} : vector<16xi32>
        %rev3A_747 = arith.subi %rev3A_745, %rev3A_746 : vector<16xi32>
        %rev3A_748 = tpu.dynamic_gather %masked_cumsum3A_743[%rev3A_747] in [0] : vector<16xf32>, vector<16xi32> -> vector<16xf32>
        %sub3A_749 = arith.constant 9.000000e+00 : f32
        %sub3A_750 = vector.broadcast %sub3A_749 : f32 to vector<16xf32>
        %sub3A_751 = arith.subf %sub3A_750, %rev3A_748 : vector<16xf32>
        %broadcast_in_dim3A_752 = vector.broadcast %add3A_645 : i32 to vector<16xi32>
        %broadcast_in_dim3A_753 = vector.broadcast %select_n3A_647 : i32 to vector<16xi32>
        tpu.vector_store_idx %arg17[%broadcast_in_dim3A_752, %broadcast_in_dim3A_753], %sub3A_751 masked %eq3A_4 : memref<128x208xf32, #tpu.memory_space<vmem>>[vector<16xi32>, vector<16xi32>], vector<16xf32>, vector<16xi1>
        %add3A_754 = arith.constant 1 : i32
        %add3A_755 = arith.addi %select_n3A_647, %add3A_754 : i32
        %eq3A_756 = arith.constant 208 : i32
        %eq3A_757 = arith.cmpi eq, %add3A_755, %eq3A_756 : i32
        %convert_element_type3A_758 = arith.extui %eq3A_757 : i1 to i32
        %add3A_759 = arith.addi %add3A_645, %convert_element_type3A_758 : i32
        %jit3A_760 = arith.constant 0 : i32
        %select_n3A_761 = arith.select %eq3A_757, %jit3A_760, %add3A_755 : i32
        %scan3A_762 = arith.constant 6 : i32
        %scan3A_763 = arith.addi %scan3A_83, %scan3A_762 : i32
        %get3A_764 = arith.constant 0 : i32
        %get3A_765 = arith.index_cast %get3A_764 : i32 to index
        %get3A_766 = arith.index_cast %scan3A_763 : i32 to index
        %get3A_767 = arith.constant 0 : index
        %get3A_768 = tpu.vector_load %arg16[%get3A_765, %get3A_766, %get3A_767] {strides = array<i32>} : memref<1x128x64xf32, #tpu.memory_space<vmem>>, vector<16xf32>,
        %get3A_769 = arith.constant 0 : i32
        %get3A_770 = arith.index_cast %get3A_769 : i32 to index
        %get3A_771 = arith.index_cast %scan3A_763 : i32 to index
        %get3A_772 = arith.constant 16 : index
        %get3A_773 = tpu.vector_load %arg16[%get3A_770, %get3A_771, %get3A_772] {strides = array<i32>} : memref<1x128x64xf32, #tpu.memory_space<vmem>>, vector<16xf32>,
        %get3A_774 = arith.constant 0 : i32
        %get3A_775 = arith.index_cast %get3A_774 : i32 to index
        %get3A_776 = arith.index_cast %scan3A_763 : i32 to index
        %get3A_777 = arith.constant 32 : index
        %get3A_778 = tpu.vector_load %arg16[%get3A_775, %get3A_776, %get3A_777] {strides = array<i32>} : memref<1x128x64xf32, #tpu.memory_space<vmem>>, vector<16xf32>,
        %get3A_779 = arith.constant 0 : i32
        %get3A_780 = arith.index_cast %get3A_779 : i32 to index
        %get3A_781 = arith.index_cast %scan3A_763 : i32 to index
        %get3A_782 = arith.constant 48 : index
        %get3A_783 = tpu.vector_load %arg16[%get3A_780, %get3A_781, %get3A_782] {strides = array<i32>} : memref<1x128x64xf32, #tpu.memory_space<vmem>>, vector<16xf32>,
        %get3A_784 = arith.index_cast %add3A_759 : i32 to index
        %get3A_785 = arith.constant 0 : index
        %get3A_786 = tpu.vector_load %arg12[%get3A_784, %get3A_785] {strides = array<i32>} : memref<128x64xf32, #tpu.memory_space<vmem>>, vector<16xf32>,
        %sub3A_787 = arith.subf %get3A_786, %get3A_768 : vector<16xf32>
        %get3A_788 = arith.index_cast %add3A_759 : i32 to index
        %get3A_789 = arith.constant 16 : index
        %get3A_790 = tpu.vector_load %arg12[%get3A_788, %get3A_789] {strides = array<i32>} : memref<128x64xf32, #tpu.memory_space<vmem>>, vector<16xf32>,
        %sub3A_791 = arith.subf %get3A_790, %get3A_773 : vector<16xf32>
        %get3A_792 = arith.index_cast %add3A_759 : i32 to index
        %get3A_793 = arith.constant 32 : index
        %get3A_794 = tpu.vector_load %arg12[%get3A_792, %get3A_793] {strides = array<i32>} : memref<128x64xf32, #tpu.memory_space<vmem>>, vector<16xf32>,
        %sub3A_795 = arith.subf %get3A_794, %get3A_778 : vector<16xf32>
        %get3A_796 = arith.index_cast %add3A_759 : i32 to index
        %get3A_797 = arith.constant 48 : index
        %get3A_798 = tpu.vector_load %arg12[%get3A_796, %get3A_797] {strides = array<i32>} : memref<128x64xf32, #tpu.memory_space<vmem>>, vector<16xf32>,
        %sub3A_799 = arith.subf %get3A_798, %get3A_783 : vector<16xf32>
        %mul3A_800 = arith.mulf %sub3A_787, %sub3A_787 : vector<16xf32>
        %mul3A_801 = arith.mulf %sub3A_795, %sub3A_795 : vector<16xf32>
        %add3A_802 = arith.addf %mul3A_800, %mul3A_801 : vector<16xf32>
        %bitcast3A_803 = vector.bitcast %add3A_802 : vector<16xf32> to vector<16xi32>
        %shift_right_arithmetic3A_804 = arith.constant 1 : i32
        %shift_right_arithmetic3A_805 = vector.broadcast %shift_right_arithmetic3A_804 : i32 to vector<16xi32>
        %shift_right_arithmetic3A_806 = arith.shrsi %bitcast3A_803, %shift_right_arithmetic3A_805 : vector<16xi32>
        %sub3A_807 = arith.constant 1597463007 : i32
        %sub3A_808 = vector.broadcast %sub3A_807 : i32 to vector<16xi32>
        %sub3A_809 = arith.subi %sub3A_808, %shift_right_arithmetic3A_806 : vector<16xi32>
        %bitcast3A_810 = vector.bitcast %sub3A_809 : vector<16xi32> to vector<16xf32>
        %mul3A_811 = arith.constant 5.000000e-01 : f32
        %mul3A_812 = vector.broadcast %mul3A_811 : f32 to vector<16xf32>
        %mul3A_813 = arith.mulf %add3A_802, %mul3A_812 : vector<16xf32>
        %mul3A_814 = arith.mulf %mul3A_813, %bitcast3A_810 : vector<16xf32>
        %mul3A_815 = arith.mulf %mul3A_814, %bitcast3A_810 : vector<16xf32>
        %sub3A_816 = arith.constant 1.500000e+00 : f32
        %sub3A_817 = vector.broadcast %sub3A_816 : f32 to vector<16xf32>
        %sub3A_818 = arith.subf %sub3A_817, %mul3A_815 : vector<16xf32>
        %mul3A_819 = arith.mulf %bitcast3A_810, %sub3A_818 : vector<16xf32>
        %mul3A_820 = arith.mulf %mul3A_813, %mul3A_819 : vector<16xf32>
        %mul3A_821 = arith.mulf %mul3A_820, %mul3A_819 : vector<16xf32>
        %sub3A_822 = arith.constant 1.500000e+00 : f32
        %sub3A_823 = vector.broadcast %sub3A_822 : f32 to vector<16xf32>
        %sub3A_824 = arith.subf %sub3A_823, %mul3A_821 : vector<16xf32>
        %mul3A_825 = arith.mulf %mul3A_819, %sub3A_824 : vector<16xf32>
        %mul3A_826 = arith.mulf %add3A_802, %mul3A_825 : vector<16xf32>
        %mul3A_827 = arith.mulf %sub3A_791, %sub3A_791 : vector<16xf32>
        %mul3A_828 = arith.mulf %sub3A_799, %sub3A_799 : vector<16xf32>
        %add3A_829 = arith.addf %mul3A_827, %mul3A_828 : vector<16xf32>
        %bitcast3A_830 = vector.bitcast %add3A_829 : vector<16xf32> to vector<16xi32>
        %shift_right_arithmetic3A_831 = arith.constant 1 : i32
        %shift_right_arithmetic3A_832 = vector.broadcast %shift_right_arithmetic3A_831 : i32 to vector<16xi32>
        %shift_right_arithmetic3A_833 = arith.shrsi %bitcast3A_830, %shift_right_arithmetic3A_832 : vector<16xi32>
        %sub3A_834 = arith.constant 1597463007 : i32
        %sub3A_835 = vector.broadcast %sub3A_834 : i32 to vector<16xi32>
        %sub3A_836 = arith.subi %sub3A_835, %shift_right_arithmetic3A_833 : vector<16xi32>
        %bitcast3A_837 = vector.bitcast %sub3A_836 : vector<16xi32> to vector<16xf32>
        %mul3A_838 = arith.constant 5.000000e-01 : f32
        %mul3A_839 = vector.broadcast %mul3A_838 : f32 to vector<16xf32>
        %mul3A_840 = arith.mulf %add3A_829, %mul3A_839 : vector<16xf32>
        %mul3A_841 = arith.mulf %mul3A_840, %bitcast3A_837 : vector<16xf32>
        %mul3A_842 = arith.mulf %mul3A_841, %bitcast3A_837 : vector<16xf32>
        %sub3A_843 = arith.constant 1.500000e+00 : f32
        %sub3A_844 = vector.broadcast %sub3A_843 : f32 to vector<16xf32>
        %sub3A_845 = arith.subf %sub3A_844, %mul3A_842 : vector<16xf32>
        %mul3A_846 = arith.mulf %bitcast3A_837, %sub3A_845 : vector<16xf32>
        %mul3A_847 = arith.mulf %mul3A_840, %mul3A_846 : vector<16xf32>
        %mul3A_848 = arith.mulf %mul3A_847, %mul3A_846 : vector<16xf32>
        %sub3A_849 = arith.constant 1.500000e+00 : f32
        %sub3A_850 = vector.broadcast %sub3A_849 : f32 to vector<16xf32>
        %sub3A_851 = arith.subf %sub3A_850, %mul3A_848 : vector<16xf32>
        %mul3A_852 = arith.mulf %mul3A_846, %sub3A_851 : vector<16xf32>
        %mul3A_853 = arith.mulf %add3A_829, %mul3A_852 : vector<16xf32>
        %add3A_854 = arith.addf %mul3A_826, %mul3A_853 : vector<16xf32>
        %broadcast_in_dim3A_855 = arith.constant true
        %broadcast_in_dim3A_856 = vector.broadcast %broadcast_in_dim3A_855 : i1 to vector<16xi1>
        %masked_cumsum3A_857 = tpu.scan <sum>, %add3A_854 masked %broadcast_in_dim3A_856 : vector<16xf32>, vector<16xi1> -> vector<16xf32>
        %rev3A_858 = arith.constant 15 : i32
        %rev3A_859 = vector.broadcast %rev3A_858 : i32 to vector<16xi32>
        %rev3A_860 = tpu.iota {dimensions = array<i32: 0>} : vector<16xi32>
        %rev3A_861 = arith.subi %rev3A_859, %rev3A_860 : vector<16xi32>
        %rev3A_862 = tpu.dynamic_gather %masked_cumsum3A_857[%rev3A_861] in [0] : vector<16xf32>, vector<16xi32> -> vector<16xf32>
        %sub3A_863 = arith.constant 9.000000e+00 : f32
        %sub3A_864 = vector.broadcast %sub3A_863 : f32 to vector<16xf32>
        %sub3A_865 = arith.subf %sub3A_864, %rev3A_862 : vector<16xf32>
        %broadcast_in_dim3A_866 = vector.broadcast %add3A_759 : i32 to vector<16xi32>
        %broadcast_in_dim3A_867 = vector.broadcast %select_n3A_761 : i32 to vector<16xi32>
        tpu.vector_store_idx %arg17[%broadcast_in_dim3A_866, %broadcast_in_dim3A_867], %sub3A_865 masked %eq3A_4 : memref<128x208xf32, #tpu.memory_space<vmem>>[vector<16xi32>, vector<16xi32>], vector<16xf32>, vector<16xi1>
        %add3A_868 = arith.constant 1 : i32
        %add3A_869 = arith.addi %select_n3A_761, %add3A_868 : i32
        %eq3A_870 = arith.constant 208 : i32
        %eq3A_871 = arith.cmpi eq, %add3A_869, %eq3A_870 : i32
        %convert_element_type3A_872 = arith.extui %eq3A_871 : i1 to i32
        %add3A_873 = arith.addi %add3A_759, %convert_element_type3A_872 : i32
        %jit3A_874 = arith.constant 0 : i32
        %select_n3A_875 = arith.select %eq3A_871, %jit3A_874, %add3A_869 : i32
        %scan3A_876 = arith.constant 7 : i32
        %scan3A_877 = arith.addi %scan3A_83, %scan3A_876 : i32
        %get3A_878 = arith.constant 0 : i32
        %get3A_879 = arith.index_cast %get3A_878 : i32 to index
        %get3A_880 = arith.index_cast %scan3A_877 : i32 to index
        %get3A_881 = arith.constant 0 : index
        %get3A_882 = tpu.vector_load %arg16[%get3A_879, %get3A_880, %get3A_881] {strides = array<i32>} : memref<1x128x64xf32, #tpu.memory_space<vmem>>, vector<16xf32>,
        %get3A_883 = arith.constant 0 : i32
        %get3A_884 = arith.index_cast %get3A_883 : i32 to index
        %get3A_885 = arith.index_cast %scan3A_877 : i32 to index
        %get3A_886 = arith.constant 16 : index
        %get3A_887 = tpu.vector_load %arg16[%get3A_884, %get3A_885, %get3A_886] {strides = array<i32>} : memref<1x128x64xf32, #tpu.memory_space<vmem>>, vector<16xf32>,
        %get3A_888 = arith.constant 0 : i32
        %get3A_889 = arith.index_cast %get3A_888 : i32 to index
        %get3A_890 = arith.index_cast %scan3A_877 : i32 to index
        %get3A_891 = arith.constant 32 : index
        %get3A_892 = tpu.vector_load %arg16[%get3A_889, %get3A_890, %get3A_891] {strides = array<i32>} : memref<1x128x64xf32, #tpu.memory_space<vmem>>, vector<16xf32>,
        %get3A_893 = arith.constant 0 : i32
        %get3A_894 = arith.index_cast %get3A_893 : i32 to index
        %get3A_895 = arith.index_cast %scan3A_877 : i32 to index
        %get3A_896 = arith.constant 48 : index
        %get3A_897 = tpu.vector_load %arg16[%get3A_894, %get3A_895, %get3A_896] {strides = array<i32>} : memref<1x128x64xf32, #tpu.memory_space<vmem>>, vector<16xf32>,
        %get3A_898 = arith.index_cast %add3A_873 : i32 to index
        %get3A_899 = arith.constant 0 : index
        %get3A_900 = tpu.vector_load %arg12[%get3A_898, %get3A_899] {strides = array<i32>} : memref<128x64xf32, #tpu.memory_space<vmem>>, vector<16xf32>,
        %sub3A_901 = arith.subf %get3A_900, %get3A_882 : vector<16xf32>
        %get3A_902 = arith.index_cast %add3A_873 : i32 to index
        %get3A_903 = arith.constant 16 : index
        %get3A_904 = tpu.vector_load %arg12[%get3A_902, %get3A_903] {strides = array<i32>} : memref<128x64xf32, #tpu.memory_space<vmem>>, vector<16xf32>,
        %sub3A_905 = arith.subf %get3A_904, %get3A_887 : vector<16xf32>
        %get3A_906 = arith.index_cast %add3A_873 : i32 to index
        %get3A_907 = arith.constant 32 : index
        %get3A_908 = tpu.vector_load %arg12[%get3A_906, %get3A_907] {strides = array<i32>} : memref<128x64xf32, #tpu.memory_space<vmem>>, vector<16xf32>,
        %sub3A_909 = arith.subf %get3A_908, %get3A_892 : vector<16xf32>
        %get3A_910 = arith.index_cast %add3A_873 : i32 to index
        %get3A_911 = arith.constant 48 : index
        %get3A_912 = tpu.vector_load %arg12[%get3A_910, %get3A_911] {strides = array<i32>} : memref<128x64xf32, #tpu.memory_space<vmem>>, vector<16xf32>,
        %sub3A_913 = arith.subf %get3A_912, %get3A_897 : vector<16xf32>
        %mul3A_914 = arith.mulf %sub3A_901, %sub3A_901 : vector<16xf32>
        %mul3A_915 = arith.mulf %sub3A_909, %sub3A_909 : vector<16xf32>
        %add3A_916 = arith.addf %mul3A_914, %mul3A_915 : vector<16xf32>
        %bitcast3A_917 = vector.bitcast %add3A_916 : vector<16xf32> to vector<16xi32>
        %shift_right_arithmetic3A_918 = arith.constant 1 : i32
        %shift_right_arithmetic3A_919 = vector.broadcast %shift_right_arithmetic3A_918 : i32 to vector<16xi32>
        %shift_right_arithmetic3A_920 = arith.shrsi %bitcast3A_917, %shift_right_arithmetic3A_919 : vector<16xi32>
        %sub3A_921 = arith.constant 1597463007 : i32
        %sub3A_922 = vector.broadcast %sub3A_921 : i32 to vector<16xi32>
        %sub3A_923 = arith.subi %sub3A_922, %shift_right_arithmetic3A_920 : vector<16xi32>
        %bitcast3A_924 = vector.bitcast %sub3A_923 : vector<16xi32> to vector<16xf32>
        %mul3A_925 = arith.constant 5.000000e-01 : f32
        %mul3A_926 = vector.broadcast %mul3A_925 : f32 to vector<16xf32>
        %mul3A_927 = arith.mulf %add3A_916, %mul3A_926 : vector<16xf32>
        %mul3A_928 = arith.mulf %mul3A_927, %bitcast3A_924 : vector<16xf32>
        %mul3A_929 = arith.mulf %mul3A_928, %bitcast3A_924 : vector<16xf32>
        %sub3A_930 = arith.constant 1.500000e+00 : f32
        %sub3A_931 = vector.broadcast %sub3A_930 : f32 to vector<16xf32>
        %sub3A_932 = arith.subf %sub3A_931, %mul3A_929 : vector<16xf32>
        %mul3A_933 = arith.mulf %bitcast3A_924, %sub3A_932 : vector<16xf32>
        %mul3A_934 = arith.mulf %mul3A_927, %mul3A_933 : vector<16xf32>
        %mul3A_935 = arith.mulf %mul3A_934, %mul3A_933 : vector<16xf32>
        %sub3A_936 = arith.constant 1.500000e+00 : f32
        %sub3A_937 = vector.broadcast %sub3A_936 : f32 to vector<16xf32>
        %sub3A_938 = arith.subf %sub3A_937, %mul3A_935 : vector<16xf32>
        %mul3A_939 = arith.mulf %mul3A_933, %sub3A_938 : vector<16xf32>
        %mul3A_940 = arith.mulf %add3A_916, %mul3A_939 : vector<16xf32>
        %mul3A_941 = arith.mulf %sub3A_905, %sub3A_905 : vector<16xf32>
        %mul3A_942 = arith.mulf %sub3A_913, %sub3A_913 : vector<16xf32>
        %add3A_943 = arith.addf %mul3A_941, %mul3A_942 : vector<16xf32>
        %bitcast3A_944 = vector.bitcast %add3A_943 : vector<16xf32> to vector<16xi32>
        %shift_right_arithmetic3A_945 = arith.constant 1 : i32
        %shift_right_arithmetic3A_946 = vector.broadcast %shift_right_arithmetic3A_945 : i32 to vector<16xi32>
        %shift_right_arithmetic3A_947 = arith.shrsi %bitcast3A_944, %shift_right_arithmetic3A_946 : vector<16xi32>
        %sub3A_948 = arith.constant 1597463007 : i32
        %sub3A_949 = vector.broadcast %sub3A_948 : i32 to vector<16xi32>
        %sub3A_950 = arith.subi %sub3A_949, %shift_right_arithmetic3A_947 : vector<16xi32>
        %bitcast3A_951 = vector.bitcast %sub3A_950 : vector<16xi32> to vector<16xf32>
        %mul3A_952 = arith.constant 5.000000e-01 : f32
        %mul3A_953 = vector.broadcast %mul3A_952 : f32 to vector<16xf32>
        %mul3A_954 = arith.mulf %add3A_943, %mul3A_953 : vector<16xf32>
        %mul3A_955 = arith.mulf %mul3A_954, %bitcast3A_951 : vector<16xf32>
        %mul3A_956 = arith.mulf %mul3A_955, %bitcast3A_951 : vector<16xf32>
        %sub3A_957 = arith.constant 1.500000e+00 : f32
        %sub3A_958 = vector.broadcast %sub3A_957 : f32 to vector<16xf32>
        %sub3A_959 = arith.subf %sub3A_958, %mul3A_956 : vector<16xf32>
        %mul3A_960 = arith.mulf %bitcast3A_951, %sub3A_959 : vector<16xf32>
        %mul3A_961 = arith.mulf %mul3A_954, %mul3A_960 : vector<16xf32>
        %mul3A_962 = arith.mulf %mul3A_961, %mul3A_960 : vector<16xf32>
        %sub3A_963 = arith.constant 1.500000e+00 : f32
        %sub3A_964 = vector.broadcast %sub3A_963 : f32 to vector<16xf32>
        %sub3A_965 = arith.subf %sub3A_964, %mul3A_962 : vector<16xf32>
        %mul3A_966 = arith.mulf %mul3A_960, %sub3A_965 : vector<16xf32>
        %mul3A_967 = arith.mulf %add3A_943, %mul3A_966 : vector<16xf32>
        %add3A_968 = arith.addf %mul3A_940, %mul3A_967 : vector<16xf32>
        %broadcast_in_dim3A_969 = arith.constant true
        %broadcast_in_dim3A_970 = vector.broadcast %broadcast_in_dim3A_969 : i1 to vector<16xi1>
        %masked_cumsum3A_971 = tpu.scan <sum>, %add3A_968 masked %broadcast_in_dim3A_970 : vector<16xf32>, vector<16xi1> -> vector<16xf32>
        %rev3A_972 = arith.constant 15 : i32
        %rev3A_973 = vector.broadcast %rev3A_972 : i32 to vector<16xi32>
        %rev3A_974 = tpu.iota {dimensions = array<i32: 0>} : vector<16xi32>
        %rev3A_975 = arith.subi %rev3A_973, %rev3A_974 : vector<16xi32>
        %rev3A_976 = tpu.dynamic_gather %masked_cumsum3A_971[%rev3A_975] in [0] : vector<16xf32>, vector<16xi32> -> vector<16xf32>
        %sub3A_977 = arith.constant 9.000000e+00 : f32
        %sub3A_978 = vector.broadcast %sub3A_977 : f32 to vector<16xf32>
        %sub3A_979 = arith.subf %sub3A_978, %rev3A_976 : vector<16xf32>
        %broadcast_in_dim3A_980 = vector.broadcast %add3A_873 : i32 to vector<16xi32>
        %broadcast_in_dim3A_981 = vector.broadcast %select_n3A_875 : i32 to vector<16xi32>
        tpu.vector_store_idx %arg17[%broadcast_in_dim3A_980, %broadcast_in_dim3A_981], %sub3A_979 masked %eq3A_4 : memref<128x208xf32, #tpu.memory_space<vmem>>[vector<16xi32>, vector<16xi32>], vector<16xf32>, vector<16xi1>
        %add3A_982 = arith.constant 1 : i32
        %add3A_983 = arith.addi %select_n3A_875, %add3A_982 : i32
        %eq3A_984 = arith.constant 208 : i32
        %eq3A_985 = arith.cmpi eq, %add3A_983, %eq3A_984 : i32
        %convert_element_type3A_986 = arith.extui %eq3A_985 : i1 to i32
        %add3A_987 = arith.addi %add3A_873, %convert_element_type3A_986 : i32
        %jit3A_988 = arith.constant 0 : i32
        %select_n3A_989 = arith.select %eq3A_985, %jit3A_988, %add3A_983 : i32
        scf.yield %add3A_987, %select_n3A_989 : i32, i32
      }
      %scan3A_82 = arith.constant 128 : i32
    }
    %scan3A_33 = arith.constant 208 : i32
    "tpu.region"() ({
      %run_scoped3A = tpu.sem_alloc : memref<!tpu.dma_semaphore, #tpu.memory_space<semaphore_mem>>
      %dma_start3A_34 = arith.constant 0 : i32
      %dma_start3A_35 = tpu.memref_slice %arg8[%mul3A_2, %dma_start3A_34] : memref<4096x208xf32, #tpu.memory_space<hbm>> -> memref<128x208xf32, #tpu.memory_space<hbm>>
      %dma_start3A_36 = arith.constant 0 : i32
      %dma_start3A_37 = tpu.memref_slice %arg8[%mul3A_2, %dma_start3A_36] : memref<4096x208xf32, #tpu.memory_space<hbm>> -> memref<128x208xf32, #tpu.memory_space<hbm>>
      tpu.enqueue_dma source(%arg17 : memref<128x208xf32, #tpu.memory_space<vmem>>) target(%dma_start3A_37 : memref<128x208xf32, #tpu.memory_space<hbm>>) target_semaphore(%run_scoped3A : memref<!tpu.dma_semaphore, #tpu.memory_space<semaphore_mem>>)
      %dma_wait3A_38 = arith.constant 0 : i32
      %dma_wait3A_39 = tpu.memref_slice %arg8[%mul3A_2, %dma_wait3A_38] : memref<4096x208xf32, #tpu.memory_space<hbm>> -> memref<128x208xf32, #tpu.memory_space<hbm>>
      %dma_wait3A_40 = arith.constant 0 : i32
      %dma_wait3A_41 = tpu.memref_slice %arg8[%mul3A_2, %dma_wait3A_40] : memref<4096x208xf32, #tpu.memory_space<hbm>> -> memref<128x208xf32, #tpu.memory_space<hbm>>
      tpu.wait_dma2 semaphore(%run_scoped3A : memref<!tpu.dma_semaphore, #tpu.memory_space<semaphore_mem>>) src(%arg17 : memref<128x208xf32, #tpu.memory_space<vmem>>) dst(%dma_wait3A_41 : memref<128x208xf32, #tpu.memory_space<hbm>>)
      tpu.yield
    }) : () -> ()
    return
  }
}

module attributes {stable_mosaic.version = 14 : i64} {
  func.func @_trig_body(%arg0: memref<1000x32xf32, #tpu.memory_space<vmem>>, %arg1: memref<1000x32xf32, #tpu.memory_space<vmem>>, %arg2: memref<1000x32xf32, #tpu.memory_space<vmem>>) attributes {dimension_semantics = [], scalar_prefetch = 0 : i64, scratch_operands = 0 : i64, tpu.core_type = #tpu.core_type<tc>} {
    %get3A = arith.constant 0 : index
    %get3A_0 = arith.constant 0 : index
    %get3A_1 = vector.load %arg0[%get3A, %get3A_0] : memref<1000x32xf32, #tpu.memory_space<vmem>>, vector<1000x32xf32>
    %mul3A = arith.constant 9.13917827 : f32
    %mul3A_2 = vector.broadcast %mul3A : f32 to vector<1000x32xf32>
    %mul3A_3 = arith.mulf %get3A_1, %mul3A_2 : vector<1000x32xf32>
    %cos3A = math.cos %mul3A_3 : vector<1000x32xf32>
    %swap3A = arith.constant 0 : index
    %swap3A_4 = arith.constant 0 : index
    %swap3A_5 = vector.load %arg1[%swap3A, %swap3A_4] : memref<1000x32xf32, #tpu.memory_space<vmem>>, vector<1000x32xf32>
    tpu.vector_store %arg1[%swap3A, %swap3A_4], %cos3A {strides = array<i32>} : memref<1000x32xf32, #tpu.memory_space<vmem>>, vector<1000x32xf32>,
    %sin3A = math.sin %mul3A_3 : vector<1000x32xf32>
    %swap3A_6 = arith.constant 0 : index
    %swap3A_7 = arith.constant 0 : index
    %swap3A_8 = vector.load %arg2[%swap3A_6, %swap3A_7] : memref<1000x32xf32, #tpu.memory_space<vmem>>, vector<1000x32xf32>
    tpu.vector_store %arg2[%swap3A_6, %swap3A_7], %sin3A {strides = array<i32>} : memref<1000x32xf32, #tpu.memory_space<vmem>>, vector<1000x32xf32>,
    return
  }
}

</mosaic_0001>

<sc_bundles>
// kernel: kernel.4.cloned.1.call-start
scs
__scs_entry_jumppad:
0x0: {  	(pc) =	sbr.rel $0x88, $3  }
0x1: {  	(tag) =	ssettag $0x0;
	lr =	simm.s32 $0x1  }
0x2: {  	[smem:$0x3F9D] =	sst lr;
	_ =	strace $0xD0000000  }
0x3: {  	_ = 	snop  }
0x4: {  	_ = 	snop  }
0x5: {  	_ = 	snop  }
0x6: {  	_ = 	snop  }
0x7: {  	_ = 	snop  }
__scs_overlays_trampoline_lowered:
0x8: {  	[smem:$0x3FAC] =	sst s0  }
0x9: {  	[smem:$0x3FAD] =	sst s1  }
0xa: {  	[smem:$0x3FAE] =	sst s2  }
0xb: {  	[smem:$0x3FAF] =	sst s3  }
0xc: {  	[smem:$0x3FB0] =	sst s4  }
0xd: {  	[smem:$0x3FB1] =	sst s5  }
0xe: {  	[smem:$0x3FB2] =	sst s6  }
0xf: {  	[smem:$0x3FB3] =	sst s7  }
0x10: {  	[smem:$0x3FB4] =	sst s8  }
0x11: {  	[smem:$0x3FB5] =	sst s9;
	s0 =	simm.s32 @!p0 $0x0  }
0x12: {  	s1 =	sld [smem:$0x3F9B];
	s0 =	simm.s32 @p0 $0x1  }
0x13: {  	[smem:$0x3FB6] =	sst s0;
	s0 =	simm.s32 @!p1 $0x0  }
0x14: {  	s2 =	sld [smem:$0x3F9A];
	s0 =	simm.s32 @p1 $0x1  }
0x15: {  	[smem:$0x3FB7] =	sst s0;
	s0 =	simm.s32 @!p2 $0x0  }
0x16: {  	s3 =	sld [smem:$0x3FDB];
	s0 =	simm.s32 @p2 $0x1  }
0x17: {  	s4 =	simm.s32 $0x1BF5;
	[smem:$0x3FB9] =	sst s0  }
0x18: {  	s0 =	sld [smem:$0x3F9C];
	_ =	swait.ge [sflag:s4], $0x0  }
0x19: {  	s7 =	sld [smem:$0x3F9D]  }
0x1a: {  	s8 =	sadd.s32 $0xFFFFE003, lr  }
0x1b: {  	s9 =	sadd.s32 $0xFFFFFEF7, lr;
	s5 =	simm.s32 $0xFFFFFFFF;
	p2 =	slt.u32 s8, $0xFFFFF086  }
0x1c: {  	p1 =	slt.u32 s9, $0xF7A;
	s5 =	simm.s32 @!p2 $0x0  }
0x1d: {  	s5 =	simm.s32 @p1 $0x1;
	p0 =	seq.s32 s7, s2  }
0x1e: {  	s7 =	smul.u32 @!p0 $0xF7A, s2;
	p2 =	seq.s32 @!p0 s5, $0x0  }
0x1f: {  	s9 =	smul.u32 $0xF7A, s1;
	s8 =	simm.s32 @!p0 $0x1BF5;
	p2 =	por !p2, p0  }
0x20: {  	[sflag:s8] =	ssyncset.s32 @!p0 $0xFFFFF086;
	s6 =	sadd.s32 @!p0 s3, s7;
	s7 =	simm.s32 @!p0 $0x108  }
0x21: {  	s3 =	sadd.s32 s3, s9;
	s6 =	sadd.s32 @!p0 $0x88, s6;
	s7 =	simm.s32 @p2 $0x1082  }
0x22: {  	[simem:s7], [sflag:s8] =	dma.local @!p0 [hbm:s6], $0xF7A  }
0x23: {  	s9 =	sor.u32 $0xD0000000, s2;
	s6 =	simm.s32 $0x108;
	_ =	swait.ge @!p0 [sflag:s8], $0x0  }
0x24: {  	s3 =	sadd.s32 $0x88, s3;
	s6 =	simm.s32 @!p1 $0x1082;
	[sflag:s4] =	ssyncset.s32 $0xFFFFF086  }
0x25: {  	[simem:s6], [sflag:s4] =	dma.local [hbm:s3], $0xF7A  }
0x26: {  	[smem:$0x3F9D] =	sst s1;
	(tag) =	ssettag s2;
	_ =	strace s9  }
0x27: {  	s1 =	sld [smem:$0x3FAD]  }
0x28: {  	s2 =	sld [smem:$0x3FAE]  }
0x29: {  	s4 =	sld [smem:$0x3FB0]  }
0x2a: {  	p0 =	seq.s32 s5, $0x0;
	s5 =	sld [smem:$0x3FB1]  }
0x2b: {  	s6 =	sld [smem:$0x3FB2]  }
0x2c: {  	s7 =	sld [smem:$0x3FB3]  }
0x2d: {  	s3 =	simm.s32 $0x108;
	s8 =	sld [smem:$0x3FB4]  }
0x2e: {  	s3 =	simm.s32 @!p0 $0x1082;
	s9 =	sld [smem:$0x3FB5]  }
0x2f: {  	lr =	sadd.s32 s0, s3;
	s0 =	sld [smem:$0x3FAC]  }
0x30: {  	s3 =	sld [smem:$0x3FAF]  }
0x31: {  	[smem:$0x3FB8] =	sst s10  }
0x32: {  	s10 =	sld [smem:$0x3FB6];
	_ =	sdelay $0x3  }
0x33: {  	p0 =	seq.s32 s10, $0x1;
	s10 =	sld [smem:$0x3FB8];
	_ =	sdelay $0x3  }
0x34: {  	[smem:$0x3FB8] =	sst s10  }
0x35: {  	s10 =	sld [smem:$0x3FB7];
	_ =	sdelay $0x3  }
0x36: {  	p1 =	seq.s32 s10, $0x1;
	s10 =	sld [smem:$0x3FB8];
	_ =	sdelay $0x3  }
0x37: {  	[smem:$0x3FB8] =	sst s10  }
0x38: {  	s10 =	sld [smem:$0x3FB9]  }
0x39: {  	_ = 	snop;
	(pc) =	sbr.ind lr, $3  }
0x3a: {  	_ = 	snop  }
0x3b: {  	_ = 	snop  }
0x3c: {  	p2 =	seq.s32 s10, $0x1;
	s10 =	sld [smem:$0x3FB8]  }
0x3d: {  	_ =	shalt  }
0x3e: {  	_ =	shalt  }
0x3f: {  	_ =	shalt  }
0x40: {  	_ =	shalt  }
0x41: {  	_ =	shalt  }
0x42: {  	_ =	shalt  }
0x43: {  	_ =	shalt  }
0x44: {  	_ =	shalt  }
0x45: {  	_ =	shalt  }
0x46: {  	_ =	shalt  }
0x47: {  	_ =	shalt  }
0x48: {  	_ =	shalt  }
0x49: {  	_ =	shalt  }
0x4a: {  	_ =	shalt  }
0x4b: {  	_ =	shalt  }
0x4c: {  	_ =	shalt  }
0x4d: {  	_ =	shalt  }
0x4e: {  	_ =	shalt  }
0x4f: {  	_ =	shalt  }
0x50: {  	_ =	shalt  }
0x51: {  	_ =	shalt  }
0x52: {  	_ =	shalt  }
0x53: {  	_ =	shalt  }
0x54: {  	_ =	shalt  }
0x55: {  	_ =	shalt  }
0x56: {  	_ =	shalt  }
0x57: {  	_ =	shalt  }
0x58: {  	_ =	shalt  }
0x59: {  	_ =	shalt  }
0x5a: {  	_ =	shalt  }
0x5b: {  	_ =	shalt  }
0x5c: {  	_ =	shalt  }
0x5d: {  	_ =	shalt  }
0x5e: {  	_ =	shalt  }
0x5f: {  	_ =	shalt  }
0x60: {  	_ =	shalt  }
0x61: {  	_ =	shalt  }
0x62: {  	_ =	shalt  }
0x63: {  	_ =	shalt  }
0x64: {  	_ =	shalt  }
0x65: {  	_ =	shalt  }
0x66: {  	_ =	shalt  }
0x67: {  	_ =	shalt  }
0x68: {  	_ =	shalt  }
0x69: {  	_ =	shalt  }
0x6a: {  	_ =	shalt  }
0x6b: {  	_ =	shalt  }
0x6c: {  	_ =	shalt  }
0x6d: {  	_ =	shalt  }
0x6e: {  	_ =	shalt  }
0x6f: {  	_ =	shalt  }
0x70: {  	_ =	shalt  }
0x71: {  	_ =	shalt  }
0x72: {  	_ =	shalt  }
0x73: {  	_ =	shalt  }
0x74: {  	_ =	shalt  }
0x75: {  	_ =	shalt  }
0x76: {  	_ =	shalt  }
0x77: {  	_ =	shalt  }
0x78: {  	_ =	shalt  }
0x79: {  	_ =	shalt  }
0x7a: {  	_ =	shalt  }
0x7b: {  	_ =	shalt  }
0x7c: {  	_ =	shalt  }
0x7d: {  	_ =	shalt  }
0x7e: {  	_ =	shalt  }
0x7f: {  	_ =	shalt  }
0x80: {  	_ =	shalt  }
0x81: {  	_ =	shalt  }
0x82: {  	_ =	shalt  }
0x83: {  	_ =	shalt  }
0x84: {  	_ =	shalt  }
0x85: {  	_ =	shalt  }
0x86: {  	_ =	shalt  }
0x87: {  	_ =	shalt  }
.Lfunc_end0:
.L_simem_size_0:
called_computation_lowered:
.L_overlay_start_0:
0x88: {  	s2 =	sld [smem:$0x3FD9]  }
0x89: {  	s3 =	sld [smem:$0x3FFE];
	_ =	sdelay $0x1  }
0x8a: {  	s1 =	srdreg.scid  }
0x8b: {  	s0 =	sand.u32 $0x1, s1  }
0x8c: {  	s17 =	sshll.u32 s0, $0xA;
	s2 =	sadd.s32 s3, s2  }
0x8d: {  	s2 =	sadd.s32 s2, s17  }
0x8e: {  	[smem:$0x3FC4] =	sst s2  }
0x8f: {  	_ = 	snop  }
0x90: {  	s2 =	sld [smem:$0x3FD0];
	(tm) =	ssettm $0x1  }
0x91: {  	s18 =	sld [smem:$0x3FFB];
	_ =	sdelay $0x3  }
0x92: {  	_ =	strace s18  }
0x93: {  	s3 =	sld [smem:$0x3FFC];
	_ =	sdelay $0x3  }
0x94: {  	_ =	strace s3  }
0x95: {  	s3 =	sld [smem:$0x3FFD];
	_ =	sdelay $0x3  }
0x96: {  	_ =	strace s3  }
0x97: {  	_ =	strace $0x8FFFFFFF  }
0x98: {  	s19 =	sld [smem:$0x3FDB];
	_ =	sdelay $0x1  }
0x99: {  	s4 =	simm.s32 $_scs_section_size  }
0x9a: {  	s5 =	simm.s32 $_size__tile_overlayer_lowered;
	s6 =	simm.s32 $_tile_overlayer_lowered  }
0x9b: {  	s22 =	simm.s32 $0x1BFF;
	s21 =	sshll.u32 s6, $0x1;
	s3 =	sadd.s32 s4, s19  }
0x9c: {  	s7 =	simm.s32 $0x0;
	s20 =	sshll.u32 s5, $0x1;
	s5 =	sadd.s32 s21, s3  }
0x9d: {  	[timem:s7], [sflag:s22] =	dma.local [hbm:s5], s20  }
0x9e: {  	_ =	swait.ge [sflag:s22], s20  }
0x9f: {  	s4 =	ssub.s32 $0x0, s20;
	[sflag:s22] =	ssyncset.done $0x0  }
0xa0: {  	[sflag:s22] =	ssyncadd.s32 s4;
	_ =	sdelay $0x1  }
0xa1: {  	s23 =	simm.s32 $0x1B8B  }
0xa2: {  	_ =	swait.ge [sflag:s23], $0x1  }
0xa3: {  	[sflag:s23] =	ssyncset.done $0x0  }
0xa4: {  	s25 =	simm.s32 $0x1B8E;
	s24 =	sld [smem:$0x3FFE];
	[sflag:s23] =	ssyncadd.s32 $0xFFFFFFFF  }
0xa5: {  	s26 =	simm.s32 $execute0_lowered;
	[smem:$0x3FD2] =	sst s25  }
0xa6: {  	s5 =	sshll.u32 s26, $0x1;
	_ =	strace $0x80000046;
	[dreg:$0x1] =	wrdreg $0xFFFFFFFF  }
0xa7: {  	s28 =	simm.s32 $_size_execute0_lowered;
	s3 =	sadd.s32 s3, s5;
	[dreg:$0x0] =	wrdreg $0x0  }
0xa8: {  	s5 =	sshll.u32 s28, $0x1;
	[dreg:$0x2] =	wrdreg s3  }
0xa9: {  	[dreg:$0x3] =	wrdreg s5  }
0xaa: {  	[dreg:$0x4] =	wrdreg $0xC0  }
0xab: {  	_ =	task [dreg:s7], $0x5FFFF  }
0xac: {  	[dreg:$0x1] =	wrdreg $0xFFFFFFFF  }
0xad: {  	[dreg:$0x0] =	wrdreg $0x60  }
0xae: {  	[dreg:$0x2] =	wrdreg s24  }
0xaf: {  	[dreg:$0x3] =	wrdreg s2  }
0xb0: {  	[dreg:$0x4] =	wrdreg $0x9  }
0xb1: {  	_ =	task.clear_ibuf [dreg:s7], $0x5FFFF;
	_ =	strace $0x90000046  }
0xb2: {  	s29 =	simm.s32 $0x9;
	_ =	strace $0x80000048  }
0xb3: {  	_ =	swait.ge [sflag:s29], $0x1  }
0xb4: {  	[sflag:s29] =	ssyncadd.s32 $0xFFFFFFFF  }
0xb5: {  	_ =	strace $0x90000048  }
0xb6: {  	_ =	sfence  }
0xb7: {  	s30 =	sld [smem:$0x0];
	_ =	sdelay $0x2  }
0xb8: {  	s31 =	sshll.u32 s1, $0xD;
	s1 =	sshrl.u32 s1, $0x2  }
0xb9: {  	s3 =	sand.u32 $0x4000, s31;
	s1 =	sadd.s32 s1, s30  }
0xba: {  	s0 =	sor.u32 s3, s0;
	s1 =	sshll.u32 s1, $0x11  }
0xbb: {  	s0 =	sor.u32 s1, s0  }
0xbc: {  	s0 =	sadd.s32 $0x8F2B, s0  }
0xbd: {  	[sflag:s0] =	ssyncadd.remote.s32 $0x1  }
0xbe: {  	_ =	sfence.sel $0xFFFF  }
0xbf: {  	[dreg:$0x0] =	wrdreg $0xFFFFFFFF;
	(pc) =	sbr.abs _section_cstart, $3  }
0xc0: {  	[dreg:$0x1] =	wrdreg $0xFFFFFFFF  }
0xc1: {  	_ =	task.clear_ibuf [dreg:s7], $0x2FFFF;
	_ =	strace $0x9FFFFFFF  }
0xc2: {  	(tm) =	ssettm $0x7FFFFFFF  }
0xc3: {  	_ =	shalt  }
tec
execute0_lowered:
.L_overlay_start_1:
0x0: {  	(tag) =	ssettag $0x1  }
0x1: {  	s6 =	rddreg [dreg:$0x0]  }
0x2: {  	s8 =	rddreg [dreg:$0x1]  }
0x3: {  	s0 =	rddreg [dreg:$0x2]  }
0x4: {  	s2 =	simm.s32 $0x0;
	s3 =	srdreg.scid;
	s1 =	stileid.u32  }
0x5: {  	s13 =	simm.s32 $0xC880;
	s14 =	simm.s32 $0x6000;
	s15 =	simm.s32 $0x80  }
0x6: {  	s16 =	simm.s32 $0x2000;
	s17 =	simm.s32 $0x3000;
	s18 =	simm.s32 $0x1  }
0x7: {  	s19 =	simm.s32 $0x2;
	s20 =	simm.s32 $0x3;
	s21 =	simm.s32 $0xC900  }
0x8: {  	s22 =	simm.s32 $0xE900;
	s23 =	simm.s32 $0x0;
	[smem:$0x7FF] =	sst s2  }
0x9: {  	s5 =	sand.u32 $0x1, s3;
	s4 =	sshll.u32 s1, $0x1;
	s3 =	sadd.s32 $0xF43000, s6  }
0xa: {  	_ =	strace $0x80000047;
	s7 =	sor.u32 s5, s4;
	s4 =	sadd.s32 $0xC00, s6  }
0xb: {  	s10 =	ssub.s32 $0x2, s5;
	s9 =	smul.u32 $0xD00, s7;
	s7 =	sshll.u32 s7, $0x4  }
0xc: {  	v0 =	vlaneseq.u32;
	s5 =	sadd.s32 $0x1C00, s6;
	s11 =	sshrl.u32 s10, $0x1;
	s7 =	sadd.s32 s7, s6  }
0xd: {  	v0 =	vmul.u32 $0xFFFFFFFF, v0;
	s10 =	ssub.s32 s10, s11;
	s11 =	simm.s32 $0xC800;
	s12 =	sadd.s32 s9, s6  }
0xe: {  	s6 =	sadd.s32 $0x2E00, s7;
	s7 =	sadd.s32 $0x2C00, s7;
	s8 =	sadd.s32 s8, s9  }
0xf: {  	v0 =	vadd.s32 $0xF, v0;
	s10 =	smax.u32 s10, $0x1;
	s9 =	sadd.s32 $0x3000, s12;
	s12 =	simm.s32 $0x4  }
.LBB2_1:
0x10: {  	[tilespmem:s11], [sflag:$0x4] =	stream.linear.gather [hbm4b:s6+s2], $0x80, $0x38;
	[tilespmem:$0x15100] =	vst v63  }
0x11: {  	_ =	swait.ge [sflag:s12], $0x80  }
0x12: {  	[sflag:s12] =	ssyncset.done $0x0  }
0x13: {  	[sflag:s12] =	ssyncadd.s32 $0xFFFFFF80  }
0x14: {  	[tilespmem:s13], [sflag:$0x4] =	stream.linear.gather [hbm4b:s7+s2], $0x80, $0x38;
	[tilespmem:$0x15100] =	vst v63  }
0x15: {  	_ =	swait.ge [sflag:s12], $0x80  }
0x16: {  	[sflag:s12] =	ssyncset.done $0x0  }
0x17: {  	[sflag:s12] =	ssyncadd.s32 $0xFFFFFF80  }
0x18: {  	[tilespmem:s14], [sflag:$0x4] =	stream.linear.gather [hbm4b:s8+s2], $0x6800, $0x38;
	[tilespmem:$0x15100] =	vst v63  }
0x19: {  	_ =	swait.ge [sflag:s12], $0x6800  }
0x1a: {  	[sflag:s12] =	ssyncset.done $0x0  }
0x1b: {  	[sflag:s12] =	ssyncadd.s32 $0xFFFF9800  }
0x1c: {  	[tilespmem:s2], [sflag:$0x1] =	stream.indirect.gather [hbm4b:s3+s15], $0x40, s11, s15, $0xb8;
	[tilespmem:$0x15100] =	vst v63  }
0x1d: {  	_ = 	snop  }
0x1e: {  	[tilespmem:s16], [sflag:$0x2] =	stream.indirect.gather [hbm4b:s4+s15], $0x20, s13, s15, $0xb8;
	[tilespmem:$0x15100] =	vst v63  }
0x1f: {  	_ = 	snop  }
0x20: {  	[tilespmem:s17], [sflag:$0x3] =	stream.indirect.gather [hbm4b:s5+s15], $0x20, s13, s15, $0xb8;
	[tilespmem:$0x15100] =	vst v63  }
0x21: {  	_ =	swait.ge [sflag:s18], $0x2000  }
0x22: {  	[sflag:s18] =	ssyncset.done $0x0  }
0x23: {  	[sflag:s18] =	ssyncadd.s32 $0xFFFFE000  }
0x24: {  	_ =	swait.ge [sflag:s19], $0x1000  }
0x25: {  	[sflag:s19] =	ssyncset.done $0x0  }
0x26: {  	[sflag:s19] =	ssyncadd.s32 $0xFFFFF000  }
0x27: {  	_ =	swait.ge [sflag:s20], $0x1000  }
0x28: {  	[sflag:s20] =	ssyncset.done $0x0  }
0x29: {  	s25 =	simm.s32 $0x20;
	[sflag:s20] =	ssyncadd.s32 $0xFFFFF000  }
0x2a: {  	v1 =	vld [tilespmem:s25+$0x10]  }
0x2b: {  	s26 =	simm.s32 $0x4020;
	s29 =	simm.s32 $0x80;
	v2 =	vld [tilespmem:s25+$0x0]  }
0x2c: {  	s30 =	simm.s32 $0x0;
	s28 =	simm.s32 $0x20;
	s24 =	simm.s32 $0x4020;
	v3 =	vld [tilespmem:s25+$0xFFFFFFE0]  }
.LBB2_2:
0x2d: {  	p0 =	sne.s32 s29, $0x3F80;
	v4 =	vld [tilespmem:s30+$0x3000];
	s25 =	sadd.s32 $0x40, s25;
	s26 =	sadd.s32 $0x40, s26  }
0x2e: {  	s31 =	smov.u32 s29;
	s29 =	sadd.s32 $0x80, s29;
	v5 =	vld [tilespmem:s30+$0x3010]  }
0x2f: {  	v6 =	vld [tilespmem:s30+$0x2000]  }
0x30: {  	v7 =	vld [tilespmem:s30+$0x2010]  }
0x31: {  	v8 =	vld [tilespmem:s28+$0xFFFFFFF0];
	s28 =	smov.u32 s25  }
0x32: {  	v9 =	vmul.f32 v2, v4  }
0x33: {  	v10 =	vmul.f32 v1, v5  }
0x34: {  	v11 =	vmul.f32 v3, v6  }
0x35: {  	s30 =	sshra.s32 s31, $0x2;
	v3 =	vmul.f32 v3, v4;
	v2 =	vmul.f32 v2, v6  }
0x36: {  	v1 =	vmul.f32 v1, v7;
	v4 =	vsub.f32 v11, v9;
	v5 =	vmul.f32 v8, v5  }
0x37: {  	v6 =	vmul.f32 v8, v7;
	v2 =	vadd.f32 v2, v3  }
0x38: {  	[tilespmem:s24+$0xFFFFFFE0] =	vst v4;
	v1 =	vadd.f32 v1, v5  }
0x39: {  	v3 =	vsub.f32 v6, v10;
	[tilespmem:s24+$0x0] =	vst v2  }
.Ltmp0:
0x3a: {  	[tilespmem:s24+$0x10] =	vst v1;
	(pc) =	sbr.rel @p0 .LBB2_2-.Ltmp0, $4  }
0x3b: {  	[tilespmem:s24+$0xFFFFFFF0] =	vst v3;
	s24 =	smov.u32 s26  }
0x3c: {  	v1 =	vld [tilespmem:s25+$0x10]  }
0x3d: {  	v2 =	vld [tilespmem:s25+$0x0]  }
0x3e: {  	v3 =	vld [tilespmem:s25+$0xFFFFFFE0]  }
0x3f: {  	v4 =	vld [tilespmem:s30+$0x3000]  }
0x40: {  	v5 =	vld [tilespmem:s30+$0x3010]  }
0x41: {  	v6 =	vld [tilespmem:s30+$0x2000]  }
0x42: {  	v7 =	vld [tilespmem:s30+$0x2010]  }
0x43: {  	v8 =	vld [tilespmem:s28+$0xFFFFFFF0];
	_ =	sdelay $0x2  }
0x44: {  	v9 =	vmul.f32 v2, v4;
	v10 =	vmul.f32 v3, v6  }
0x45: {  	v3 =	vmul.f32 v3, v4;
	v2 =	vmul.f32 v2, v6  }
0x46: {  	v61 =	vmul.f32 v8, v5;
	v62 =	vmul.f32 v1, v7;
	v60 =	vsub.f32 v10, v9  }
0x47: {  	v1 =	vmul.f32 v1, v5;
	v63 =	vmul.f32 v8, v7;
	v2 =	vadd.f32 v2, v3  }
0x48: {  	v3 =	vadd.f32 v62, v61;
	[tilespmem:s24+$0xFFFFFFE0] =	vst v60  }
0x49: {  	v1 =	vsub.f32 v63, v1;
	[tilespmem:s24+$0x0] =	vst v2  }
0x4a: {  	[tilespmem:s24+$0x10] =	vst v3  }
0x4b: {  	[tilespmem:s24+$0xFFFFFFF0] =	vst v1;
	s24 =	simm.s32 $0x0  }
.LBB2_4:
0x4c: {  	s25 =	sshll.u32 s24, $0x7  }
0x4d: {  	s28 =	smul.u32 $0x276280, s24;
	s26 =	sadd.s32 $0x6000, s25  }
0x4e: {  	[tilespmem:s21], [sflag:$0x1] =	stream.indirect.gather [hbm4b:s3+s15], $0x40, s26, s15, $0xb8;
	[tilespmem:$0x15100] =	vst v63  }
0x4f: {  	s28 =	sshrl.u32 s28, $0x16  }
0x50: {  	_ =	swait.ge [sflag:s18], $0x2000;
	s31 =	smul.u32 $0xFFFFFF30, s28  }
0x51: {  	s26 =	simm.s32 $0xCA00;
	[sflag:s18] =	ssyncset.done $0x0  }
0x52: {  	[sflag:s18] =	ssyncadd.s32 $0xFFFFE000;
	s29 =	sadd.s32 s25, s31;
	s25 =	simm.s32 $0xFFFFFFF8  }
.LBB2_5:
0x53: {  	v1 =	vld [tilespmem:s26+$0xFFFFFF00]  }
0x54: {  	v2 =	vld [tilespmem:s26+$0xFFFFFF10]  }
0x55: {  	v3 =	vld [tilespmem:s26+$0xFFFFFF20];
	s30 =	sshll.u32 s28, $0x8  }
0x56: {  	v4 =	vld [tilespmem:s26+$0xFFFFFF30];
	s30 =	sshra.s32 s30, $0x2  }
0x57: {  	v5 =	vld [tilespmem:s30+$0x4000]  }
0x58: {  	v6 =	vld [tilespmem:s30+$0x4010]  }
0x59: {  	v7 =	vld [tilespmem:s30+$0x4020]  }
0x5a: {  	v8 =	vld [tilespmem:s30+$0x4030];
	_ =	sdelay $0x3  }
0x5b: {  	v1 =	vsub.f32 v5, v1;
	v3 =	vsub.f32 v7, v3  }
0x5c: {  	v2 =	vsub.f32 v6, v2;
	v4 =	vsub.f32 v8, v4  }
0x5d: {  	v1 =	vmul.f32 v1, v1;
	v3 =	vmul.f32 v3, v3  }
0x5e: {  	v2 =	vmul.f32 v2, v2;
	v4 =	vmul.f32 v4, v4  }
0x5f: {  	v1 =	vadd.f32 v3, v1  }
0x60: {  	v2 =	vadd.f32 v4, v2  }
0x61: {  	v3 =	vshra.s32 v1, $0x1  }
0x62: {  	v33 =	vmul.f32 $5.000000000e-01, v1;
	v34 =	vshra.s32 v2, $0x1;
	v35 =	vmul.f32 $5.000000000e-01, v2  }
0x63: {  	v3 =	vsub.s32 $0x5F3759DF, v3;
	v5 =	vsub.s32 $0x5F3759DF, v34  }
0x64: {  	v36 =	vmul.f32 v3, v33;
	v37 =	vmul.f32 v5, v35;
	_ =	sdelay $0x1  }
0x65: {  	v7 =	vmul.f32 v3, v36;
	v8 =	vmul.f32 v5, v37;
	_ =	sdelay $0x1  }
0x66: {  	v7 =	vsub.f32 $1.500000000e+00, v7;
	v8 =	vsub.f32 $1.500000000e+00, v8;
	_ =	sdelay $0x1  }
0x67: {  	v3 =	vmul.f32 v3, v7;
	v5 =	vmul.f32 v5, v8;
	_ =	sdelay $0x1  }
0x68: {  	v4 =	vmul.f32 v3, v33;
	v6 =	vmul.f32 v5, v35;
	_ =	sdelay $0x1  }
0x69: {  	v4 =	vmul.f32 v4, v3;
	v6 =	vmul.f32 v6, v5;
	_ =	sdelay $0x1  }
0x6a: {  	v4 =	vsub.f32 $1.500000000e+00, v4;
	v6 =	vsub.f32 $1.500000000e+00, v6;
	_ =	sdelay $0x1  }
0x6b: {  	v3 =	vmul.f32 v4, v3;
	v38 =	vmul.f32 v6, v5;
	_ =	sdelay $0x1  }
0x6c: {  	v1 =	vmul.f32 v3, v1;
	v2 =	vmul.f32 v38, v2;
	_ =	sdelay $0x1  }
0x6d: {  	v1 =	vadd.f32 v2, v1;
	_ =	sdelay $0x1  }
0x6e: {  	(xrf2) =	vadd.scan.msk.f32 $0xffff, v1;
	_ =	sdelay $0x3  }
0x6f: {  	v1 =	vmov s28  }
0x70: {  	v1 =	vmul.u32 $0xD0, v1  }
0x71: {  	v2 =	vmov s29  }
0x72: {  	v3 =	vand.u32 $0xFFFFFFF8, v2;
	v1 =	vbroadcast v1, $0x0;
	_ =	sdelay $0x1  }
0x73: {  	v2 =	vand.u32 $0x7, v2;
	v1 =	vadd.s32 v1, v3  }
0x74: {  	v1 =	vor.u32 v2, v1;
	v3, _, _ =	vpop (xrf2)  }
0x75: {  	v2 =	vperm.xlane v3, v0;
	_ =	sdelay $0x1  }
0x76: {  	v2 =	vsub.f32 $9.000000000e+00, v2  }
0x77: {  	s29 =	sadd.s32 $0x1, s29  }
0x78: {  	s30 =	simm.s32 $0x1;
	p0 =	seq.s32 s29, $0xD0;
	[tilespmem:v1+s22+$0x0] =	vst.idx.msk $0x1, v2  }
0x79: {  	s30 =	simm.s32 @!p0 $0x0;
	v1 =	vld [tilespmem:s26+$0xFFFFFF40]  }
0x7a: {  	s28 =	sadd.s32 s30, s28;
	v2 =	vld [tilespmem:s26+$0xFFFFFF50]  }
0x7b: {  	s30 =	sshll.u32 s28, $0x8;
	v3 =	vld [tilespmem:s26+$0xFFFFFF60]  }
0x7c: {  	s30 =	sshra.s32 s30, $0x2;
	v39 =	vld [tilespmem:s26+$0xFFFFFF70]  }
0x7d: {  	v40 =	vld [tilespmem:s30+$0x4000]  }
0x7e: {  	v41 =	vld [tilespmem:s30+$0x4010]  }
0x7f: {  	v42 =	vld [tilespmem:s30+$0x4020]  }
0x80: {  	v43 =	vld [tilespmem:s30+$0x4030];
	_ =	sdelay $0x3  }
0x81: {  	v1 =	vsub.f32 v40, v1;
	v3 =	vsub.f32 v42, v3  }
0x82: {  	v2 =	vsub.f32 v41, v2;
	v4 =	vsub.f32 v43, v39  }
0x83: {  	v1 =	vmul.f32 v1, v1;
	v3 =	vmul.f32 v3, v3  }
0x84: {  	v2 =	vmul.f32 v2, v2;
	v4 =	vmul.f32 v4, v4  }
0x85: {  	v1 =	vadd.f32 v3, v1  }
0x86: {  	v2 =	vadd.f32 v4, v2  }
0x87: {  	v3 =	vshra.s32 v1, $0x1  }
0x88: {  	v44 =	vmul.f32 $5.000000000e-01, v1;
	v45 =	vshra.s32 v2, $0x1;
	v46 =	vmul.f32 $5.000000000e-01, v2  }
0x89: {  	v3 =	vsub.s32 $0x5F3759DF, v3;
	v5 =	vsub.s32 $0x5F3759DF, v45  }
0x8a: {  	v47 =	vmul.f32 v3, v44;
	v48 =	vmul.f32 v5, v46;
	_ =	sdelay $0x1  }
0x8b: {  	v7 =	vmul.f32 v3, v47;
	v8 =	vmul.f32 v5, v48;
	_ =	sdelay $0x1  }
0x8c: {  	v7 =	vsub.f32 $1.500000000e+00, v7;
	v8 =	vsub.f32 $1.500000000e+00, v8;
	_ =	sdelay $0x1  }
0x8d: {  	v3 =	vmul.f32 v3, v7;
	v5 =	vmul.f32 v5, v8;
	_ =	sdelay $0x1  }
0x8e: {  	v4 =	vmul.f32 v3, v44;
	v6 =	vmul.f32 v5, v46;
	_ =	sdelay $0x1  }
0x8f: {  	v4 =	vmul.f32 v4, v3;
	v6 =	vmul.f32 v6, v5;
	_ =	sdelay $0x1  }
0x90: {  	v4 =	vsub.f32 $1.500000000e+00, v4;
	v6 =	vsub.f32 $1.500000000e+00, v6;
	_ =	sdelay $0x1  }
0x91: {  	v3 =	vmul.f32 v4, v3;
	v49 =	vmul.f32 v6, v5;
	_ =	sdelay $0x1  }
0x92: {  	v1 =	vmul.f32 v3, v1;
	v2 =	vmul.f32 v49, v2;
	_ =	sdelay $0x1  }
0x93: {  	v1 =	vadd.f32 v2, v1;
	_ =	sdelay $0x1  }
0x94: {  	(xrf2) =	vadd.scan.msk.f32 $0xffff, v1;
	_ =	sdelay $0x3  }
0x95: {  	v1 =	vmov s28  }
0x96: {  	s29 =	simm.s32 @p0 $0x0;
	v1 =	vmul.u32 $0xD0, v1  }
0x97: {  	v2 =	vmov s29  }
0x98: {  	v3 =	vand.u32 $0xFFFFFFF8, v2;
	v1 =	vbroadcast v1, $0x0;
	_ =	sdelay $0x1  }
0x99: {  	v2 =	vand.u32 $0x7, v2;
	v1 =	vadd.s32 v3, v1  }
0x9a: {  	v1 =	vor.u32 v2, v1;
	v3, _, _ =	vpop (xrf2)  }
0x9b: {  	v2 =	vperm.xlane v3, v0;
	_ =	sdelay $0x1  }
0x9c: {  	v2 =	vsub.f32 $9.000000000e+00, v2  }
0x9d: {  	s29 =	sadd.s32 $0x1, s29  }
0x9e: {  	s30 =	simm.s32 $0x1;
	p0 =	seq.s32 s29, $0xD0;
	[tilespmem:v1+s22+$0x0] =	vst.idx.msk $0x1, v2  }
0x9f: {  	s30 =	simm.s32 @!p0 $0x0;
	v1 =	vld [tilespmem:s26+$0xFFFFFF80]  }
0xa0: {  	s28 =	sadd.s32 s30, s28;
	v2 =	vld [tilespmem:s26+$0xFFFFFF90]  }
0xa1: {  	s30 =	sshll.u32 s28, $0x8;
	v3 =	vld [tilespmem:s26+$0xFFFFFFA0]  }
0xa2: {  	s30 =	sshra.s32 s30, $0x2;
	v50 =	vld [tilespmem:s26+$0xFFFFFFB0]  }
0xa3: {  	v51 =	vld [tilespmem:s30+$0x4000]  }
0xa4: {  	v52 =	vld [tilespmem:s30+$0x4010]  }
0xa5: {  	v53 =	vld [tilespmem:s30+$0x4020]  }
0xa6: {  	v54 =	vld [tilespmem:s30+$0x4030];
	_ =	sdelay $0x3  }
0xa7: {  	v1 =	vsub.f32 v51, v1;
	v3 =	vsub.f32 v53, v3  }
0xa8: {  	v2 =	vsub.f32 v52, v2;
	v4 =	vsub.f32 v54, v50  }
0xa9: {  	v1 =	vmul.f32 v1, v1;
	v3 =	vmul.f32 v3, v3  }
0xaa: {  	v2 =	vmul.f32 v2, v2;
	v4 =	vmul.f32 v4, v4  }
0xab: {  	v1 =	vadd.f32 v3, v1  }
0xac: {  	v2 =	vadd.f32 v4, v2  }
0xad: {  	v3 =	vshra.s32 v1, $0x1  }
0xae: {  	v55 =	vmul.f32 $5.000000000e-01, v1;
	v56 =	vshra.s32 v2, $0x1;
	v57 =	vmul.f32 $5.000000000e-01, v2  }
0xaf: {  	v3 =	vsub.s32 $0x5F3759DF, v3;
	v5 =	vsub.s32 $0x5F3759DF, v56  }
0xb0: {  	v58 =	vmul.f32 v3, v55;
	v59 =	vmul.f32 v5, v57;
	_ =	sdelay $0x1  }
0xb1: {  	v7 =	vmul.f32 v3, v58;
	v8 =	vmul.f32 v5, v59;
	_ =	sdelay $0x1  }
0xb2: {  	v7 =	vsub.f32 $1.500000000e+00, v7;
	v8 =	vsub.f32 $1.500000000e+00, v8;
	_ =	sdelay $0x1  }
0xb3: {  	v3 =	vmul.f32 v3, v7;
	v5 =	vmul.f32 v5, v8;
	_ =	sdelay $0x1  }
0xb4: {  	v4 =	vmul.f32 v3, v55;
	v6 =	vmul.f32 v5, v57;
	_ =	sdelay $0x1  }
0xb5: {  	v4 =	vmul.f32 v4, v3;
	v6 =	vmul.f32 v6, v5;
	_ =	sdelay $0x1  }
0xb6: {  	v4 =	vsub.f32 $1.500000000e+00, v4;
	v6 =	vsub.f32 $1.500000000e+00, v6;
	_ =	sdelay $0x1  }
0xb7: {  	v3 =	vmul.f32 v4, v3;
	v60 =	vmul.f32 v6, v5;
	_ =	sdelay $0x1  }
0xb8: {  	v1 =	vmul.f32 v3, v1;
	v2 =	vmul.f32 v60, v2;
	_ =	sdelay $0x1  }
0xb9: {  	v1 =	vadd.f32 v2, v1;
	_ =	sdelay $0x1  }
0xba: {  	(xrf2) =	vadd.scan.msk.f32 $0xffff, v1;
	_ =	sdelay $0x3  }
0xbb: {  	v1 =	vmov s28  }
0xbc: {  	s29 =	simm.s32 @p0 $0x0;
	v1 =	vmul.u32 $0xD0, v1  }
0xbd: {  	v2 =	vmov s29  }
0xbe: {  	v3 =	vand.u32 $0xFFFFFFF8, v2;
	v1 =	vbroadcast v1, $0x0;
	_ =	sdelay $0x1  }
0xbf: {  	v2 =	vand.u32 $0x7, v2;
	v1 =	vadd.s32 v3, v1  }
0xc0: {  	v1 =	vor.u32 v2, v1;
	v3, _, _ =	vpop (xrf2)  }
0xc1: {  	v2 =	vperm.xlane v3, v0;
	_ =	sdelay $0x1  }
0xc2: {  	v2 =	vsub.f32 $9.000000000e+00, v2  }
0xc3: {  	s29 =	sadd.s32 $0x1, s29  }
0xc4: {  	s30 =	simm.s32 $0x1;
	p0 =	seq.s32 s29, $0xD0;
	[tilespmem:v1+s22+$0x0] =	vst.idx.msk $0x1, v2  }
0xc5: {  	s30 =	simm.s32 @!p0 $0x0;
	v1 =	vld [tilespmem:s26+$0xFFFFFFC0]  }
0xc6: {  	s28 =	sadd.s32 s30, s28;
	v2 =	vld [tilespmem:s26+$0xFFFFFFD0]  }
0xc7: {  	s30 =	sshll.u32 s28, $0x8;
	v3 =	vld [tilespmem:s26+$0xFFFFFFE0]  }
0xc8: {  	s30 =	sshra.s32 s30, $0x2;
	v61 =	vld [tilespmem:s26+$0xFFFFFFF0]  }
0xc9: {  	v62 =	vld [tilespmem:s30+$0x4000]  }
0xca: {  	v63 =	vld [tilespmem:s30+$0x4010]  }
0xcb: {  	v12 =	vld [tilespmem:s30+$0x4020]  }
0xcc: {  	v13 =	vld [tilespmem:s30+$0x4030];
	_ =	sdelay $0x3  }
0xcd: {  	v1 =	vsub.f32 v62, v1;
	v3 =	vsub.f32 v12, v3  }
0xce: {  	v2 =	vsub.f32 v63, v2;
	v4 =	vsub.f32 v13, v61  }
0xcf: {  	v1 =	vmul.f32 v1, v1;
	v3 =	vmul.f32 v3, v3  }
0xd0: {  	v2 =	vmul.f32 v2, v2;
	v4 =	vmul.f32 v4, v4  }
0xd1: {  	v1 =	vadd.f32 v3, v1  }
0xd2: {  	v2 =	vadd.f32 v4, v2  }
0xd3: {  	v3 =	vshra.s32 v1, $0x1  }
0xd4: {  	v14 =	vmul.f32 $5.000000000e-01, v1;
	v15 =	vshra.s32 v2, $0x1;
	v16 =	vmul.f32 $5.000000000e-01, v2  }
0xd5: {  	v3 =	vsub.s32 $0x5F3759DF, v3;
	v5 =	vsub.s32 $0x5F3759DF, v15  }
0xd6: {  	v17 =	vmul.f32 v3, v14;
	v18 =	vmul.f32 v5, v16;
	_ =	sdelay $0x1  }
0xd7: {  	v7 =	vmul.f32 v3, v17;
	v8 =	vmul.f32 v5, v18;
	_ =	sdelay $0x1  }
0xd8: {  	v7 =	vsub.f32 $1.500000000e+00, v7;
	v8 =	vsub.f32 $1.500000000e+00, v8;
	_ =	sdelay $0x1  }
0xd9: {  	v3 =	vmul.f32 v3, v7;
	v5 =	vmul.f32 v5, v8;
	_ =	sdelay $0x1  }
0xda: {  	v4 =	vmul.f32 v3, v14;
	v6 =	vmul.f32 v5, v16;
	_ =	sdelay $0x1  }
0xdb: {  	v4 =	vmul.f32 v4, v3;
	v6 =	vmul.f32 v6, v5;
	_ =	sdelay $0x1  }
0xdc: {  	v4 =	vsub.f32 $1.500000000e+00, v4;
	v6 =	vsub.f32 $1.500000000e+00, v6;
	_ =	sdelay $0x1  }
0xdd: {  	v3 =	vmul.f32 v4, v3;
	v19 =	vmul.f32 v6, v5;
	_ =	sdelay $0x1  }
0xde: {  	v1 =	vmul.f32 v3, v1;
	v2 =	vmul.f32 v19, v2;
	_ =	sdelay $0x1  }
0xdf: {  	v1 =	vadd.f32 v2, v1;
	_ =	sdelay $0x1  }
0xe0: {  	(xrf2) =	vadd.scan.msk.f32 $0xffff, v1;
	_ =	sdelay $0x3  }
0xe1: {  	v1 =	vmov s28  }
0xe2: {  	s29 =	simm.s32 @p0 $0x0;
	v1 =	vmul.u32 $0xD0, v1  }
0xe3: {  	v2 =	vmov s29  }
0xe4: {  	v3 =	vand.u32 $0xFFFFFFF8, v2;
	v1 =	vbroadcast v1, $0x0;
	_ =	sdelay $0x1  }
0xe5: {  	v2 =	vand.u32 $0x7, v2;
	v1 =	vadd.s32 v3, v1  }
0xe6: {  	v1 =	vor.u32 v2, v1;
	v3, _, _ =	vpop (xrf2)  }
0xe7: {  	v2 =	vperm.xlane v3, v0;
	_ =	sdelay $0x1  }
0xe8: {  	v2 =	vsub.f32 $9.000000000e+00, v2  }
0xe9: {  	s29 =	sadd.s32 $0x1, s29  }
0xea: {  	s30 =	simm.s32 $0x1;
	p0 =	seq.s32 s29, $0xD0;
	[tilespmem:v1+s22+$0x0] =	vst.idx.msk $0x1, v2  }
0xeb: {  	s30 =	simm.s32 @!p0 $0x0;
	v1 =	vld [tilespmem:s26+$0x0]  }
0xec: {  	s28 =	sadd.s32 s30, s28;
	v2 =	vld [tilespmem:s26+$0x10]  }
0xed: {  	s30 =	sshll.u32 s28, $0x8;
	v3 =	vld [tilespmem:s26+$0x20]  }
0xee: {  	s30 =	sshra.s32 s30, $0x2;
	v20 =	vld [tilespmem:s26+$0x30]  }
0xef: {  	v21 =	vld [tilespmem:s30+$0x4000]  }
0xf0: {  	v22 =	vld [tilespmem:s30+$0x4010]  }
0xf1: {  	v23 =	vld [tilespmem:s30+$0x4020]  }
0xf2: {  	v24 =	vld [tilespmem:s30+$0x4030];
	_ =	sdelay $0x3  }
0xf3: {  	v1 =	vsub.f32 v21, v1;
	v3 =	vsub.f32 v23, v3  }
0xf4: {  	v2 =	vsub.f32 v22, v2;
	v4 =	vsub.f32 v24, v20  }
0xf5: {  	v1 =	vmul.f32 v1, v1;
	v3 =	vmul.f32 v3, v3  }
0xf6: {  	v2 =	vmul.f32 v2, v2;
	v4 =	vmul.f32 v4, v4  }
0xf7: {  	v1 =	vadd.f32 v3, v1  }
0xf8: {  	v2 =	vadd.f32 v4, v2  }
0xf9: {  	v3 =	vshra.s32 v1, $0x1  }
0xfa: {  	v25 =	vmul.f32 $5.000000000e-01, v1;
	v26 =	vshra.s32 v2, $0x1;
	v27 =	vmul.f32 $5.000000000e-01, v2  }
0xfb: {  	v3 =	vsub.s32 $0x5F3759DF, v3;
	v5 =	vsub.s32 $0x5F3759DF, v26  }
0xfc: {  	v28 =	vmul.f32 v3, v25;
	v29 =	vmul.f32 v5, v27;
	_ =	sdelay $0x1  }
0xfd: {  	v7 =	vmul.f32 v3, v28;
	v8 =	vmul.f32 v5, v29;
	_ =	sdelay $0x1  }
0xfe: {  	v7 =	vsub.f32 $1.500000000e+00, v7;
	v8 =	vsub.f32 $1.500000000e+00, v8;
	_ =	sdelay $0x1  }
0xff: {  	v3 =	vmul.f32 v3, v7;
	v5 =	vmul.f32 v5, v8;
	_ =	sdelay $0x1  }
0x100: {  	v4 =	vmul.f32 v3, v25;
	v6 =	vmul.f32 v5, v27;
	_ =	sdelay $0x1  }
0x101: {  	v4 =	vmul.f32 v4, v3;
	v6 =	vmul.f32 v6, v5;
	_ =	sdelay $0x1  }
0x102: {  	v4 =	vsub.f32 $1.500000000e+00, v4;
	v6 =	vsub.f32 $1.500000000e+00, v6;
	_ =	sdelay $0x1  }
0x103: {  	v3 =	vmul.f32 v4, v3;
	v30 =	vmul.f32 v6, v5;
	_ =	sdelay $0x1  }
0x104: {  	v1 =	vmul.f32 v3, v1;
	v2 =	vmul.f32 v30, v2;
	_ =	sdelay $0x1  }
0x105: {  	v1 =	vadd.f32 v2, v1;
	_ =	sdelay $0x1  }
0x106: {  	(xrf2) =	vadd.scan.msk.f32 $0xffff, v1;
	_ =	sdelay $0x3  }
0x107: {  	v1 =	vmov s28  }
0x108: {  	s29 =	simm.s32 @p0 $0x0;
	v1 =	vmul.u32 $0xD0, v1  }
0x109: {  	v2 =	vmov s29  }
0x10a: {  	v3 =	vand.u32 $0xFFFFFFF8, v2;
	v1 =	vbroadcast v1, $0x0;
	_ =	sdelay $0x1  }
0x10b: {  	v2 =	vand.u32 $0x7, v2;
	v1 =	vadd.s32 v3, v1  }
0x10c: {  	v1 =	vor.u32 v2, v1;
	v3, _, _ =	vpop (xrf2)  }
0x10d: {  	v2 =	vperm.xlane v3, v0;
	_ =	sdelay $0x1  }
0x10e: {  	v2 =	vsub.f32 $9.000000000e+00, v2  }
0x10f: {  	s29 =	sadd.s32 $0x1, s29  }
0x110: {  	s30 =	simm.s32 $0x1;
	p0 =	seq.s32 s29, $0xD0;
	[tilespmem:v1+s22+$0x0] =	vst.idx.msk $0x1, v2  }
0x111: {  	s30 =	simm.s32 @!p0 $0x0;
	v1 =	vld [tilespmem:s26+$0x40]  }
0x112: {  	s28 =	sadd.s32 s30, s28;
	v2 =	vld [tilespmem:s26+$0x50]  }
0x113: {  	s30 =	sshll.u32 s28, $0x8;
	v3 =	vld [tilespmem:s26+$0x60]  }
0x114: {  	s30 =	sshra.s32 s30, $0x2;
	v31 =	vld [tilespmem:s26+$0x70]  }
0x115: {  	v32 =	vld [tilespmem:s30+$0x4000]  }
0x116: {  	v33 =	vld [tilespmem:s30+$0x4010]  }
0x117: {  	v34 =	vld [tilespmem:s30+$0x4020]  }
0x118: {  	v35 =	vld [tilespmem:s30+$0x4030];
	_ =	sdelay $0x3  }
0x119: {  	v1 =	vsub.f32 v32, v1;
	v3 =	vsub.f32 v34, v3  }
0x11a: {  	v2 =	vsub.f32 v33, v2;
	v4 =	vsub.f32 v35, v31  }
0x11b: {  	v1 =	vmul.f32 v1, v1;
	v3 =	vmul.f32 v3, v3  }
0x11c: {  	v2 =	vmul.f32 v2, v2;
	v4 =	vmul.f32 v4, v4  }
0x11d: {  	v1 =	vadd.f32 v3, v1  }
0x11e: {  	v2 =	vadd.f32 v4, v2  }
0x11f: {  	v3 =	vshra.s32 v1, $0x1  }
0x120: {  	v36 =	vmul.f32 $5.000000000e-01, v1;
	v37 =	vshra.s32 v2, $0x1;
	v38 =	vmul.f32 $5.000000000e-01, v2  }
0x121: {  	v3 =	vsub.s32 $0x5F3759DF, v3;
	v5 =	vsub.s32 $0x5F3759DF, v37  }
0x122: {  	v39 =	vmul.f32 v3, v36;
	v40 =	vmul.f32 v5, v38;
	_ =	sdelay $0x1  }
0x123: {  	v7 =	vmul.f32 v3, v39;
	v8 =	vmul.f32 v5, v40;
	_ =	sdelay $0x1  }
0x124: {  	v7 =	vsub.f32 $1.500000000e+00, v7;
	v8 =	vsub.f32 $1.500000000e+00, v8;
	_ =	sdelay $0x1  }
0x125: {  	v3 =	vmul.f32 v3, v7;
	v5 =	vmul.f32 v5, v8;
	_ =	sdelay $0x1  }
0x126: {  	v4 =	vmul.f32 v3, v36;
	v6 =	vmul.f32 v5, v38;
	_ =	sdelay $0x1  }
0x127: {  	v4 =	vmul.f32 v4, v3;
	v6 =	vmul.f32 v6, v5;
	_ =	sdelay $0x1  }
0x128: {  	v4 =	vsub.f32 $1.500000000e+00, v4;
	v6 =	vsub.f32 $1.500000000e+00, v6;
	_ =	sdelay $0x1  }
0x129: {  	v3 =	vmul.f32 v4, v3;
	v41 =	vmul.f32 v6, v5;
	_ =	sdelay $0x1  }
0x12a: {  	v1 =	vmul.f32 v3, v1;
	v2 =	vmul.f32 v41, v2;
	_ =	sdelay $0x1  }
0x12b: {  	v1 =	vadd.f32 v2, v1;
	_ =	sdelay $0x1  }
0x12c: {  	(xrf2) =	vadd.scan.msk.f32 $0xffff, v1;
	_ =	sdelay $0x3  }
0x12d: {  	v1 =	vmov s28  }
0x12e: {  	s29 =	simm.s32 @p0 $0x0;
	v1 =	vmul.u32 $0xD0, v1  }
0x12f: {  	v2 =	vmov s29  }
0x130: {  	v3 =	vand.u32 $0xFFFFFFF8, v2;
	v1 =	vbroadcast v1, $0x0;
	_ =	sdelay $0x1  }
0x131: {  	v2 =	vand.u32 $0x7, v2;
	v1 =	vadd.s32 v3, v1  }
0x132: {  	v1 =	vor.u32 v2, v1;
	v3, _, _ =	vpop (xrf2)  }
0x133: {  	v2 =	vperm.xlane v3, v0;
	_ =	sdelay $0x1  }
0x134: {  	v2 =	vsub.f32 $9.000000000e+00, v2  }
0x135: {  	s29 =	sadd.s32 $0x1, s29  }
0x136: {  	s30 =	simm.s32 $0x1;
	p0 =	seq.s32 s29, $0xD0;
	[tilespmem:v1+s22+$0x0] =	vst.idx.msk $0x1, v2  }
0x137: {  	s30 =	simm.s32 @!p0 $0x0;
	v1 =	vld [tilespmem:s26+$0x80]  }
0x138: {  	s28 =	sadd.s32 s30, s28;
	v2 =	vld [tilespmem:s26+$0x90]  }
0x139: {  	s30 =	sshll.u32 s28, $0x8;
	v3 =	vld [tilespmem:s26+$0xA0]  }
0x13a: {  	s30 =	sshra.s32 s30, $0x2;
	v42 =	vld [tilespmem:s26+$0xB0]  }
0x13b: {  	v43 =	vld [tilespmem:s30+$0x4000]  }
0x13c: {  	v44 =	vld [tilespmem:s30+$0x4010]  }
0x13d: {  	v45 =	vld [tilespmem:s30+$0x4020]  }
0x13e: {  	v46 =	vld [tilespmem:s30+$0x4030];
	_ =	sdelay $0x3  }
0x13f: {  	v1 =	vsub.f32 v43, v1;
	v3 =	vsub.f32 v45, v3  }
0x140: {  	v2 =	vsub.f32 v44, v2;
	v4 =	vsub.f32 v46, v42  }
0x141: {  	v1 =	vmul.f32 v1, v1;
	v3 =	vmul.f32 v3, v3  }
0x142: {  	v2 =	vmul.f32 v2, v2;
	v4 =	vmul.f32 v4, v4  }
0x143: {  	v1 =	vadd.f32 v3, v1  }
0x144: {  	v2 =	vadd.f32 v4, v2  }
0x145: {  	v3 =	vshra.s32 v1, $0x1  }
0x146: {  	v47 =	vmul.f32 $5.000000000e-01, v1;
	v48 =	vshra.s32 v2, $0x1;
	v49 =	vmul.f32 $5.000000000e-01, v2  }
0x147: {  	v3 =	vsub.s32 $0x5F3759DF, v3;
	v5 =	vsub.s32 $0x5F3759DF, v48  }
0x148: {  	v50 =	vmul.f32 v3, v47;
	v51 =	vmul.f32 v5, v49;
	_ =	sdelay $0x1  }
0x149: {  	v7 =	vmul.f32 v3, v50;
	v8 =	vmul.f32 v5, v51;
	_ =	sdelay $0x1  }
0x14a: {  	v7 =	vsub.f32 $1.500000000e+00, v7;
	v8 =	vsub.f32 $1.500000000e+00, v8;
	_ =	sdelay $0x1  }
0x14b: {  	v3 =	vmul.f32 v3, v7;
	v5 =	vmul.f32 v5, v8;
	_ =	sdelay $0x1  }
0x14c: {  	v4 =	vmul.f32 v3, v47;
	v6 =	vmul.f32 v5, v49;
	_ =	sdelay $0x1  }
0x14d: {  	v4 =	vmul.f32 v4, v3;
	v6 =	vmul.f32 v6, v5;
	_ =	sdelay $0x1  }
0x14e: {  	v4 =	vsub.f32 $1.500000000e+00, v4;
	v6 =	vsub.f32 $1.500000000e+00, v6;
	_ =	sdelay $0x1  }
0x14f: {  	v3 =	vmul.f32 v4, v3;
	v52 =	vmul.f32 v6, v5;
	_ =	sdelay $0x1  }
0x150: {  	v1 =	vmul.f32 v3, v1;
	v2 =	vmul.f32 v52, v2;
	_ =	sdelay $0x1  }
0x151: {  	v1 =	vadd.f32 v2, v1;
	_ =	sdelay $0x1  }
0x152: {  	(xrf2) =	vadd.scan.msk.f32 $0xffff, v1;
	_ =	sdelay $0x3  }
0x153: {  	v1 =	vmov s28  }
0x154: {  	s29 =	simm.s32 @p0 $0x0;
	v1 =	vmul.u32 $0xD0, v1  }
0x155: {  	v2 =	vmov s29  }
0x156: {  	v3 =	vand.u32 $0xFFFFFFF8, v2;
	v1 =	vbroadcast v1, $0x0;
	_ =	sdelay $0x1  }
0x157: {  	v2 =	vand.u32 $0x7, v2;
	v1 =	vadd.s32 v3, v1  }
0x158: {  	v1 =	vor.u32 v2, v1;
	v3, _, _ =	vpop (xrf2)  }
0x159: {  	v2 =	vperm.xlane v3, v0;
	_ =	sdelay $0x1  }
0x15a: {  	v2 =	vsub.f32 $9.000000000e+00, v2  }
0x15b: {  	s29 =	sadd.s32 $0x1, s29  }
0x15c: {  	s30 =	simm.s32 $0x1;
	p0 =	seq.s32 s29, $0xD0;
	[tilespmem:v1+s22+$0x0] =	vst.idx.msk $0x1, v2  }
0x15d: {  	s30 =	simm.s32 @!p0 $0x0;
	v1 =	vld [tilespmem:s26+$0xC0]  }
0x15e: {  	s28 =	sadd.s32 s30, s28;
	v2 =	vld [tilespmem:s26+$0xD0]  }
0x15f: {  	s30 =	sshll.u32 s28, $0x8;
	v3 =	vld [tilespmem:s26+$0xE0]  }
0x160: {  	s30 =	sshra.s32 s30, $0x2;
	v53 =	vld [tilespmem:s26+$0xF0]  }
0x161: {  	v54 =	vld [tilespmem:s30+$0x4000]  }
0x162: {  	v55 =	vld [tilespmem:s30+$0x4010]  }
0x163: {  	v56 =	vld [tilespmem:s30+$0x4020]  }
0x164: {  	v57 =	vld [tilespmem:s30+$0x4030];
	_ =	sdelay $0x3  }
0x165: {  	v1 =	vsub.f32 v54, v1;
	v3 =	vsub.f32 v56, v3  }
0x166: {  	v2 =	vsub.f32 v55, v2;
	v4 =	vsub.f32 v57, v53  }
0x167: {  	v1 =	vmul.f32 v1, v1;
	v3 =	vmul.f32 v3, v3  }
0x168: {  	v2 =	vmul.f32 v2, v2;
	v4 =	vmul.f32 v4, v4  }
0x169: {  	v1 =	vadd.f32 v3, v1  }
0x16a: {  	v2 =	vadd.f32 v4, v2  }
0x16b: {  	v3 =	vshra.s32 v1, $0x1  }
0x16c: {  	v58 =	vmul.f32 $5.000000000e-01, v1;
	v59 =	vshra.s32 v2, $0x1;
	v60 =	vmul.f32 $5.000000000e-01, v2  }
0x16d: {  	v3 =	vsub.s32 $0x5F3759DF, v3;
	v5 =	vsub.s32 $0x5F3759DF, v59  }
0x16e: {  	v61 =	vmul.f32 v3, v58;
	v62 =	vmul.f32 v5, v60;
	_ =	sdelay $0x1  }
0x16f: {  	v7 =	vmul.f32 v3, v61;
	v8 =	vmul.f32 v5, v62;
	_ =	sdelay $0x1  }
0x170: {  	v7 =	vsub.f32 $1.500000000e+00, v7;
	v8 =	vsub.f32 $1.500000000e+00, v8;
	_ =	sdelay $0x1  }
0x171: {  	v3 =	vmul.f32 v3, v7;
	v5 =	vmul.f32 v5, v8;
	_ =	sdelay $0x1  }
0x172: {  	v4 =	vmul.f32 v3, v58;
	v6 =	vmul.f32 v5, v60;
	_ =	sdelay $0x1  }
0x173: {  	v4 =	vmul.f32 v4, v3;
	v6 =	vmul.f32 v6, v5;
	_ =	sdelay $0x1  }
0x174: {  	v4 =	vsub.f32 $1.500000000e+00, v4;
	v6 =	vsub.f32 $1.500000000e+00, v6;
	_ =	sdelay $0x1  }
0x175: {  	v3 =	vmul.f32 v4, v3;
	v63 =	vmul.f32 v6, v5;
	_ =	sdelay $0x1  }
0x176: {  	v1 =	vmul.f32 v3, v1;
	v2 =	vmul.f32 v63, v2;
	_ =	sdelay $0x1  }
0x177: {  	v1 =	vadd.f32 v2, v1;
	_ =	sdelay $0x1  }
0x178: {  	(xrf2) =	vadd.scan.msk.f32 $0xffff, v1;
	_ =	sdelay $0x3  }
0x179: {  	v1 =	vmov s28  }
0x17a: {  	s29 =	simm.s32 @p0 $0x0;
	v1 =	vmul.u32 $0xD0, v1  }
0x17b: {  	v2 =	vmov s29  }
0x17c: {  	v3 =	vand.u32 $0xFFFFFFF8, v2;
	v1 =	vbroadcast v1, $0x0;
	_ =	sdelay $0x1  }
0x17d: {  	s25 =	sadd.s32 $0x8, s25;
	v2 =	vand.u32 $0x7, v2;
	v1 =	vadd.s32 v3, v1  }
0x17e: {  	p1 =	slt.u32 s25, $0x78;
	v1 =	vor.u32 v2, v1;
	v3, _, _ =	vpop (xrf2)  }
.Ltmp1:
0x17f: {  	v2 =	vperm.xlane v3, v0;
	(pc) =	sbr.rel @p1 .LBB2_5-.Ltmp1, $4  }
0x180: {  	s29 =	sadd.s32 $0x1, s29  }
0x181: {  	s30 =	simm.s32 $0x1;
	p0 =	seq.s32 s29, $0xD0;
	v2 =	vsub.f32 $9.000000000e+00, v2  }
0x182: {  	s30 =	simm.s32 @!p0 $0x0  }
0x183: {  	s26 =	sadd.s32 $0x200, s26;
	s29 =	simm.s32 @p0 $0x0;
	s28 =	sadd.s32 s30, s28;
	[tilespmem:v1+s22+$0x0] =	vst.idx.msk $0x1, v2  }
0x184: {  	s24 =	sadd.s32 $0x1, s24  }
0x185: {  	p0 =	sne.s32 s24, $0xD0  }
.Ltmp2:
0x186: {  	_ = 	snop;
	(pc) =	sbr.rel @p0 .LBB2_4-.Ltmp2, $1  }
0x187: {  	_ =	sdelay $0x3  }
0x188: {  	s23 =	sadd.s32 $0x1, s23  }
0x189: {  	p0 =	sne.s32 s23, s10  }
.Ltmp3:
0x18a: {  	_ = 	snop;
	(pc) =	sbr.rel @p0 .LBB2_1-.Ltmp3, $4  }
0x18b: {  	[hbm4b:s9+s2] =	stream.linear.scatter [tilespmem:s22], [sflag:$0x4], $0x6800, $0x38;
	[tilespmem:$0x15100] =	vst v63  }
0x18c: {  	_ =	swait.ge [sflag:s12], $0x6800  }
0x18d: {  	[sflag:s12] =	ssyncset.done $0x0  }
0x18e: {  	[sflag:s12] =	ssyncadd.s32 $0xFFFF9800  }
0x18f: {  	_ =	sfence.sel $0x180000  }
0x190: {  	[bflag:$0x0] =	sbarrier.arrive $0xFFFF  }
0x191: {  	p0 =	sne.s32 s1, $0x0;
	_ =	strace $0x90000047  }
0x192: {  	s0 =	sadd.s32 @!p0 $0x100000, s0;
	[bflag:$0x2] =	sbarrier.arrive $0xFFFF  }
0x193: {  	[sflag:s0] =	ssyncadd.tile.s32 @!p0 $0x1;
	_ =	shalt  }
.Lfunc_end2:
_tile_overlayer_lowered:
.L_overlay_start_2:
0x194: {  	(tag) =	ssettag $0x2  }
0x195: {  	s0 =	rddreg [dreg:$0x0];
	s2 =	stileid.u32  }
0x196: {  	s1 =	rddreg [dreg:$0x1];
	p0 =	sne.s32 s2, $0x0  }
0x197: {  	s3 =	rddreg [dreg:$0x2];
	[bflag:$0x3] =	sbarrier.arrive $0xFFFF;
	s2 =	simm.s32 @!p0 $0x1C04  }
0x198: {  	[timem:s3], [sflag:s2] =	dma.local @!p0 [hbm:s0], s1  }
0x199: {  	s0 =	simm.s32 @!p0 $0x4  }
0x19a: {  	_ =	swait.ge @!p0 [sflag:s0], s1  }
0x19b: {  	s1 =	ssub.s32 @!p0 $0x0, s1;
	[sflag:s0] =	ssyncset.done @!p0 $0x0  }
0x19c: {  	[sflag:s0] =	ssyncadd.s32 @!p0 s1  }
0x19d: {  	[bflag:$0x3] =	sbarrier.arrive $0xFFFF  }
0x19e: {  	_ =	shalt  }

</sc_bundles>
